<compile_context>
chip_gen: v7x
topology: tpu7x:2x2x1
jax: 0.10.2.dev20260603
libtpu: 0.0.44.dev20260713+nightly
codegen_flags: <defaults>
</compile_context>

<pallas_src>
import functools

import jax
import jax.numpy as jnp
from jax import lax
from jax.experimental import pallas as pl
from jax.experimental.pallas import tpu as pltpu
from jax.experimental.pallas import tpu_sc as plsc

_NC = 2
_NS = 16
_NW = _NC * _NS


def _mask_body(k_keep, w1_ref, w2_ref, m1_ref, m2_ref, a1_ref, a2_ref):
    a1_ref[...] = lax.bitcast_convert_type(jnp.abs(w1_ref[...]), jnp.int32)
    a2_ref[...] = lax.bitcast_convert_type(jnp.abs(w2_ref[...]), jnp.int32)

    def body(_, carry):
        u, p = carry
        cand = u | p
        cnt = (jnp.sum((a1_ref[...] >= cand).astype(jnp.int32))
               + jnp.sum((a2_ref[...] >= cand).astype(jnp.int32)))
        u = jnp.where(cnt >= k_keep, cand, u)
        return u, p >> 1

    u, _ = lax.fori_loop(0, 31, body, (jnp.int32(0), jnp.int32(1) << 30))
    thr = lax.bitcast_convert_type(u, jnp.float32)
    w1 = w1_ref[...]
    w2 = w2_ref[...]
    m1_ref[...] = jnp.where(jnp.abs(w1) >= thr, w1, 0.0).astype(jnp.bfloat16)
    m2_ref[...] = jnp.where(jnp.abs(w2) >= thr, w2, 0.0).astype(jnp.bfloat16)


def _masked_weights(W1, W2):
    n = W1.size + W2.size
    k_keep = max(int(n * 0.5), 1)
    return pl.pallas_call(
        functools.partial(_mask_body, k_keep),
        out_shape=[
            jax.ShapeDtypeStruct(W1.shape, jnp.bfloat16),
            jax.ShapeDtypeStruct(W2.shape, jnp.bfloat16),
        ],
        scratch_shapes=[
            pltpu.VMEM(W1.shape, jnp.int32),
            pltpu.VMEM(W2.shape, jnp.int32),
        ],
    )(W1, W2)


def _gather(emb, idx):
    n_rows = idx.shape[0]
    d = emb.shape[1]
    per_w = n_rows // _NW
    ch = 32
    n_ch = per_w // ch
    mesh = plsc.VectorSubcoreMesh(core_axis_name="c", subcore_axis_name="s")

    @functools.partial(
        pl.kernel,
        mesh=mesh,
        out_type=jax.ShapeDtypeStruct((n_rows, d), jnp.float32),
        scratch_types=[
            pltpu.VMEM((per_w,), jnp.int32),
            pltpu.VMEM((ch, d), jnp.float32),
            pltpu.VMEM((ch, d), jnp.float32),
            pltpu.VMEM((ch, d), jnp.float32),
            pltpu.SemaphoreType.DMA,
            pltpu.SemaphoreType.DMA,
            pltpu.SemaphoreType.DMA,
        ],
    )
    def k(table_hbm, idx_hbm, out_hbm, idx_v, rows_a, rows_b, rows_c,
          sem_a, sem_b, sem_c):
        wid = lax.axis_index("s") * _NC + lax.axis_index("c")
        base = wid * per_w
        pltpu.sync_copy(idx_hbm.at[pl.ds(base, per_w)], idx_v)
        bufs = (rows_a, rows_b, rows_c)
        sems = (sem_a, sem_b, sem_c)
        nb = len(bufs)
        for c in range(min(nb - 1, n_ch)):
            pltpu.async_copy(table_hbm.at[idx_v.at[pl.ds(c * ch, ch)]],
                             bufs[c], sems[c])
        for c in range(n_ch):
            pltpu.make_async_copy(
                table_hbm.at[idx_v.at[pl.ds(c * ch, ch)]], bufs[c % nb],
                sems[c % nb]).wait()
            if c + nb - 1 < n_ch:
                cn = c + nb - 1
                pltpu.async_copy(
                    table_hbm.at[idx_v.at[pl.ds(cn * ch, ch)]],
                    bufs[cn % nb], sems[cn % nb])
            pltpu.sync_copy(bufs[c % nb], out_hbm.at[pl.ds(base + c * ch, ch)])

    return k(emb, idx)


def _fwd_body(n_batch, m_blk, x_ref, dec_ref, w1_ref, w2_ref, len_ref, out_ref):
    i = pl.program_id(0)
    sub = 512
    n_sub = m_blk // sub
    w1 = w1_ref[...]
    w2 = w2_ref[...]
    for t in range(n_sub):
        x = x_ref[pl.ds(t * sub, sub), :]
        h = jnp.tanh(jnp.dot(x.astype(jnp.bfloat16), w1,
                             preferred_element_type=jnp.float32))
        row = (i * m_blk + t * sub
               + lax.broadcasted_iota(jnp.int32, (sub, 1), 0))
        s = row // n_batch
        b = row % n_batch
        lb = jnp.full_like(row, len_ref[0])
        for j in range(1, n_batch):
            lb = jnp.where(b == j, len_ref[j], lb)
        mask = (s < lb).astype(jnp.float32)
        z = (h * mask + dec_ref[pl.ds(t * sub, sub), :]).astype(jnp.bfloat16)
        out = jnp.dot(z, w2, preferred_element_type=jnp.float32)
        out_ref[pl.ds(t * (sub // n_batch), sub // n_batch), :, :] = (
            out.reshape(sub // n_batch, n_batch, out.shape[-1]))


def _forward(rows, W1m, W2m, lengths, n_seq, n_batch):
    sb = n_seq * n_batch
    d = W1m.shape[0]
    m_blk = 1024
    s_blk = m_blk // n_batch
    grid = (sb // m_blk,)
    dec_off = sb // m_blk
    return pl.pallas_call(
        functools.partial(_fwd_body, n_batch, m_blk),
        grid=grid,
        in_specs=[
            pl.BlockSpec((m_blk, d), lambda i: (i, 0)),
            pl.BlockSpec((m_blk, d), lambda i, o=dec_off: (i + o, 0)),
            pl.BlockSpec((d, d), lambda i: (0, 0)),
            pl.BlockSpec((d, d), lambda i: (0, 0)),
            pl.BlockSpec(memory_space=pltpu.SMEM),
        ],
        out_specs=pl.BlockSpec((s_blk, n_batch, d), lambda i: (i, 0, 0)),
        out_shape=jax.ShapeDtypeStruct((n_seq, n_batch, d), jnp.float32),
    )(rows, rows, W1m, W2m, lengths)


def kernel(src, tgt, lengths, emb, W1, W2):
    n_seq, n_batch = src.shape
    d = emb.shape[1]
    W1m, W2m = _masked_weights(W1, W2)
    idx = jnp.concatenate([src.reshape(-1), tgt.reshape(-1)]).astype(jnp.int32)
    rows = _gather(emb, idx)
    return _forward(rows, W1m, W2m, lengths.astype(jnp.int32), n_seq, n_batch)

# --- scband reference (transcript-rebuilt; emitter-appended) ---
"""Pipeline reference for scband-masked-model-57329223467160 (READ-ONLY COPY).

The authoritative reference and input builder live on the scoring server;
editing this copy changes nothing except your own understanding.
"""

import jax, jax.numpy as jnp
import numpy as np

VOCAB = 32000
D_MODEL = 1024
SEQ = 2048
BATCH = 4
SPARSITY = 0.5  # fraction of grouped parameters pruned (magnitude-based, like change_mask/apply_mask)


def setup_inputs(seed: int = 0) -> dict:
    key = jax.random.key(seed)
    k1, k2, k3, k4, k5, k6 = jax.random.split(key, 6)
    src = jax.random.randint(k1, (SEQ, BATCH), 0, VOCAB)
    tgt = jax.random.randint(k2, (SEQ, BATCH), 0, VOCAB)
    lengths = jax.random.randint(k3, (BATCH,), 1, SEQ + 1)
    # learned parameters of the wrapped 'pretrained' seq2seq model
    emb = jax.random.normal(k4, (VOCAB, D_MODEL), dtype=jnp.float32) * 0.02
    W1 = jax.random.normal(k5, (D_MODEL, D_MODEL), dtype=jnp.float32) * 0.02  # encoder.weight (in group0)
    W2 = jax.random.normal(k6, (D_MODEL, D_MODEL), dtype=jnp.float32) * 0.02  # decoder.weight (in group0)
    return {"src": src, "tgt": tgt, "lengths": lengths, "emb": emb, "W1": W1, "W2": W2}


def _mask_group_weights(W1, W2):
    # generate_mask: flatten all params of the group into one vector, sort |.| descending
    flat = jnp.concatenate([jnp.abs(W1).ravel(), jnp.abs(W2).ravel()])
    sorted_desc = jnp.sort(flat)[::-1]
    n = flat.shape[0]
    k_keep = max(int(n * (1.0 - SPARSITY)), 1)
    thr = sorted_desc[k_keep - 1]
    # change_mask + apply_mask: keep weights with |w| >= group threshold, zero the rest
    m1 = (jnp.abs(W1) >= thr).astype(W1.dtype)
    m2 = (jnp.abs(W2) >= thr).astype(W2.dtype)
    return W1 * m1, W2 * m2


def reference(src, tgt, lengths, emb, W1, W2):
    W1m, W2m = _mask_group_weights(W1, W2)
    # masked_model forward: encoder -> decoder over masked weights
    x = jnp.take(emb, src, axis=0)            # [S, B, d] encoder embedding
    pos = jnp.arange(src.shape[0])[:, None]
    len_mask = (pos < lengths[None, :]).astype(x.dtype)[:, :, None]
    h = jnp.tanh(x @ W1m) * len_mask          # encoder with masked weight
    dec_in = jnp.take(emb, tgt, axis=0)       # [S, B, d]
    out = (h + dec_in) @ W2m                  # decoder with masked weight
    return out

if __name__ == "__main__":
    import jax
    _d = setup_inputs()
    print(jax.jit(kernel)(*tuple(_d.values())))

</pallas_src>

<mosaic_0001>
#map = affine_map<(d0, d1) -> (0, 0)>
#map1 = affine_map<(d0, d1) -> (0)>
module attributes {stable_mosaic.version = 14 : i64} {
  func.func @k(%arg0: i32, %arg1: i32, %arg2: memref<32000x1024xf32, #tpu.memory_space<hbm>>, %arg3: memref<16384xi32, #tpu.memory_space<hbm>>, %arg4: memref<16384x1024xf32, #tpu.memory_space<hbm>>, %arg5: memref<512xi32, #tpu.memory_space<vmem>>, %arg6: memref<32x1024xf32, #tpu.memory_space<vmem>>, %arg7: memref<32x1024xf32, #tpu.memory_space<vmem>>, %arg8: memref<32x1024xf32, #tpu.memory_space<vmem>>, %arg9: memref<!tpu.dma_semaphore, #tpu.memory_space<semaphore_mem>>, %arg10: memref<!tpu.dma_semaphore, #tpu.memory_space<semaphore_mem>>, %arg11: memref<!tpu.dma_semaphore, #tpu.memory_space<semaphore_mem>>) attributes {dimension_semantics = [#tpu.dimension_semantics<core_parallel>, #tpu.dimension_semantics<subcore_parallel>], iteration_bounds = array<i64: 2, 16>, scalar_prefetch = 0 : i64, scratch_operands = 7 : i64, tpu.core_type = #tpu.core_type<sc_vector_subcore>, window_params = [{transform_indices = #map}, {transform_indices = #map1}, {transform_indices = #map}]} {
    %mul3A = arith.constant 2 : i32
    %mul3A_0 = arith.muli %arg1, %mul3A : i32
    %add3A = arith.addi %mul3A_0, %arg0 : i32
    %mul3A_1 = arith.constant 512 : i32
    %mul3A_2 = arith.muli %add3A, %mul3A_1 : i32
    "tpu.region"() ({
      %run_scoped3A = tpu.sem_alloc : memref<!tpu.dma_semaphore, #tpu.memory_space<semaphore_mem>>
      %dma_start3A_193 = tpu.memref_slice %arg3[%mul3A_2] : memref<16384xi32, #tpu.memory_space<hbm>> -> memref<512xi32, #tpu.memory_space<hbm>>
      %dma_start3A_194 = tpu.memref_slice %arg3[%mul3A_2] : memref<16384xi32, #tpu.memory_space<hbm>> -> memref<512xi32, #tpu.memory_space<hbm>>
      tpu.enqueue_dma source(%dma_start3A_194 : memref<512xi32, #tpu.memory_space<hbm>>) target(%arg5 : memref<512xi32, #tpu.memory_space<vmem>>) target_semaphore(%run_scoped3A : memref<!tpu.dma_semaphore, #tpu.memory_space<semaphore_mem>>)
      %dma_wait3A_195 = tpu.memref_slice %arg3[%mul3A_2] : memref<16384xi32, #tpu.memory_space<hbm>> -> memref<512xi32, #tpu.memory_space<hbm>>
      %dma_wait3A_196 = tpu.memref_slice %arg3[%mul3A_2] : memref<16384xi32, #tpu.memory_space<hbm>> -> memref<512xi32, #tpu.memory_space<hbm>>
      tpu.wait_dma2 semaphore(%run_scoped3A : memref<!tpu.dma_semaphore, #tpu.memory_space<semaphore_mem>>) src(%dma_wait3A_196 : memref<512xi32, #tpu.memory_space<hbm>>) dst(%arg5 : memref<512xi32, #tpu.memory_space<vmem>>)
      tpu.yield
    }) : () -> ()
    %dma_start3A = arith.constant 0 : i32
    %dma_start3A_3 = tpu.memref_slice %arg5[%dma_start3A] : memref<512xi32, #tpu.memory_space<vmem>> -> memref<32xi32, #tpu.memory_space<vmem>>
    %dma_start3A_4 = arith.constant 0 : i32
    %dma_start3A_5 = arith.constant 0 : i32
    %dma_start3A_6 = tpu.memref_slice %arg2[%dma_start3A_4, %dma_start3A_5] : memref<32000x1024xf32, #tpu.memory_space<hbm>> -> memref<32000x1024xf32, #tpu.memory_space<hbm>>
    tpu.enqueue_indirect_dma source(%dma_start3A_6 : memref<32000x1024xf32, #tpu.memory_space<hbm>>) target(%arg6 : memref<32x1024xf32, #tpu.memory_space<vmem>>) offsets(%dma_start3A_3 : memref<32xi32, #tpu.memory_space<vmem>>) semaphore(%arg9 : memref<!tpu.dma_semaphore, #tpu.memory_space<semaphore_mem>>)
    %dma_start3A_7 = arith.constant 32 : i32
    %dma_start3A_8 = tpu.memref_slice %arg5[%dma_start3A_7] : memref<512xi32, #tpu.memory_space<vmem>> -> memref<32xi32, #tpu.memory_space<vmem>>
    %dma_start3A_9 = arith.constant 0 : i32
    %dma_start3A_10 = arith.constant 0 : i32
    %dma_start3A_11 = tpu.memref_slice %arg2[%dma_start3A_9, %dma_start3A_10] : memref<32000x1024xf32, #tpu.memory_space<hbm>> -> memref<32000x1024xf32, #tpu.memory_space<hbm>>
    tpu.enqueue_indirect_dma source(%dma_start3A_11 : memref<32000x1024xf32, #tpu.memory_space<hbm>>) target(%arg7 : memref<32x1024xf32, #tpu.memory_space<vmem>>) offsets(%dma_start3A_8 : memref<32xi32, #tpu.memory_space<vmem>>) semaphore(%arg10 : memref<!tpu.dma_semaphore, #tpu.memory_space<semaphore_mem>>)
    %dma_wait3A = arith.constant 0 : i32
    %dma_wait3A_12 = tpu.memref_slice %arg5[%dma_wait3A] : memref<512xi32, #tpu.memory_space<vmem>> -> memref<32xi32, #tpu.memory_space<vmem>>
    %dma_wait3A_13 = arith.constant 0 : i32
    %dma_wait3A_14 = arith.constant 0 : i32
    %dma_wait3A_15 = tpu.memref_slice %arg2[%dma_wait3A_13, %dma_wait3A_14] : memref<32000x1024xf32, #tpu.memory_space<hbm>> -> memref<32000x1024xf32, #tpu.memory_space<hbm>>
    tpu.wait_indirect_dma semaphore(%arg9 : memref<!tpu.dma_semaphore, #tpu.memory_space<semaphore_mem>>) src(%dma_wait3A_15 : memref<32000x1024xf32, #tpu.memory_space<hbm>>) dst(%arg6 : memref<32x1024xf32, #tpu.memory_space<vmem>>)
    %dma_start3A_16 = arith.constant 64 : i32
    %dma_start3A_17 = tpu.memref_slice %arg5[%dma_start3A_16] : memref<512xi32, #tpu.memory_space<vmem>> -> memref<32xi32, #tpu.memory_space<vmem>>
    %dma_start3A_18 = arith.constant 0 : i32
    %dma_start3A_19 = arith.constant 0 : i32
    %dma_start3A_20 = tpu.memref_slice %arg2[%dma_start3A_18, %dma_start3A_19] : memref<32000x1024xf32, #tpu.memory_space<hbm>> -> memref<32000x1024xf32, #tpu.memory_space<hbm>>
    tpu.enqueue_indirect_dma source(%dma_start3A_20 : memref<32000x1024xf32, #tpu.memory_space<hbm>>) target(%arg8 : memref<32x1024xf32, #tpu.memory_space<vmem>>) offsets(%dma_start3A_17 : memref<32xi32, #tpu.memory_space<vmem>>) semaphore(%arg11 : memref<!tpu.dma_semaphore, #tpu.memory_space<semaphore_mem>>)
    %add3A_21 = arith.constant 0 : i32
    %add3A_22 = arith.addi %mul3A_2, %add3A_21 : i32
    "tpu.region"() ({
      %run_scoped3A = tpu.sem_alloc : memref<!tpu.dma_semaphore, #tpu.memory_space<semaphore_mem>>
      %dma_start3A_193 = arith.constant 0 : i32
      %dma_start3A_194 = tpu.memref_slice %arg4[%add3A_22, %dma_start3A_193] : memref<16384x1024xf32, #tpu.memory_space<hbm>> -> memref<32x1024xf32, #tpu.memory_space<hbm>>
      %dma_start3A_195 = arith.constant 0 : i32
      %dma_start3A_196 = tpu.memref_slice %arg4[%add3A_22, %dma_start3A_195] : memref<16384x1024xf32, #tpu.memory_space<hbm>> -> memref<32x1024xf32, #tpu.memory_space<hbm>>
      tpu.enqueue_dma source(%arg6 : memref<32x1024xf32, #tpu.memory_space<vmem>>) target(%dma_start3A_196 : memref<32x1024xf32, #tpu.memory_space<hbm>>) target_semaphore(%run_scoped3A : memref<!tpu.dma_semaphore, #tpu.memory_space<semaphore_mem>>)
      %dma_wait3A_197 = arith.constant 0 : i32
      %dma_wait3A_198 = tpu.memref_slice %arg4[%add3A_22, %dma_wait3A_197] : memref<16384x1024xf32, #tpu.memory_space<hbm>> -> memref<32x1024xf32, #tpu.memory_space<hbm>>
      %dma_wait3A_199 = arith.constant 0 : i32
      %dma_wait3A_200 = tpu.memref_slice %arg4[%add3A_22, %dma_wait3A_199] : memref<16384x1024xf32, #tpu.memory_space<hbm>> -> memref<32x1024xf32, #tpu.memory_space<hbm>>
      tpu.wait_dma2 semaphore(%run_scoped3A : memref<!tpu.dma_semaphore, #tpu.memory_space<semaphore_mem>>) src(%arg6 : memref<32x1024xf32, #tpu.memory_space<vmem>>) dst(%dma_wait3A_200 : memref<32x1024xf32, #tpu.memory_space<hbm>>)
      tpu.yield
    }) : () -> ()
    %dma_wait3A_23 = arith.constant 32 : i32
    %dma_wait3A_24 = tpu.memref_slice %arg5[%dma_wait3A_23] : memref<512xi32, #tpu.memory_space<vmem>> -> memref<32xi32, #tpu.memory_space<vmem>>
    %dma_wait3A_25 = arith.constant 0 : i32
    %dma_wait3A_26 = arith.constant 0 : i32
    %dma_wait3A_27 = tpu.memref_slice %arg2[%dma_wait3A_25, %dma_wait3A_26] : memref<32000x1024xf32, #tpu.memory_space<hbm>> -> memref<32000x1024xf32, #tpu.memory_space<hbm>>
    tpu.wait_indirect_dma semaphore(%arg10 : memref<!tpu.dma_semaphore, #tpu.memory_space<semaphore_mem>>) src(%dma_wait3A_27 : memref<32000x1024xf32, #tpu.memory_space<hbm>>) dst(%arg7 : memref<32x1024xf32, #tpu.memory_space<vmem>>)
    %dma_start3A_28 = arith.constant 96 : i32
    %dma_start3A_29 = tpu.memref_slice %arg5[%dma_start3A_28] : memref<512xi32, #tpu.memory_space<vmem>> -> memref<32xi32, #tpu.memory_space<vmem>>
    %dma_start3A_30 = arith.constant 0 : i32
    %dma_start3A_31 = arith.constant 0 : i32
    %dma_start3A_32 = tpu.memref_slice %arg2[%dma_start3A_30, %dma_start3A_31] : memref<32000x1024xf32, #tpu.memory_space<hbm>> -> memref<32000x1024xf32, #tpu.memory_space<hbm>>
    tpu.enqueue_indirect_dma source(%dma_start3A_32 : memref<32000x1024xf32, #tpu.memory_space<hbm>>) target(%arg6 : memref<32x1024xf32, #tpu.memory_space<vmem>>) offsets(%dma_start3A_29 : memref<32xi32, #tpu.memory_space<vmem>>) semaphore(%arg9 : memref<!tpu.dma_semaphore, #tpu.memory_space<semaphore_mem>>)
    %add3A_33 = arith.constant 32 : i32
    %add3A_34 = arith.addi %mul3A_2, %add3A_33 : i32
    "tpu.region"() ({
      %run_scoped3A = tpu.sem_alloc : memref<!tpu.dma_semaphore, #tpu.memory_space<semaphore_mem>>
      %dma_start3A_193 = arith.constant 0 : i32
      %dma_start3A_194 = tpu.memref_slice %arg4[%add3A_34, %dma_start3A_193] : memref<16384x1024xf32, #tpu.memory_space<hbm>> -> memref<32x1024xf32, #tpu.memory_space<hbm>>
      %dma_start3A_195 = arith.constant 0 : i32
      %dma_start3A_196 = tpu.memref_slice %arg4[%add3A_34, %dma_start3A_195] : memref<16384x1024xf32, #tpu.memory_space<hbm>> -> memref<32x1024xf32, #tpu.memory_space<hbm>>
      tpu.enqueue_dma source(%arg7 : memref<32x1024xf32, #tpu.memory_space<vmem>>) target(%dma_start3A_196 : memref<32x1024xf32, #tpu.memory_space<hbm>>) target_semaphore(%run_scoped3A : memref<!tpu.dma_semaphore, #tpu.memory_space<semaphore_mem>>)
      %dma_wait3A_197 = arith.constant 0 : i32
      %dma_wait3A_198 = tpu.memref_slice %arg4[%add3A_34, %dma_wait3A_197] : memref<16384x1024xf32, #tpu.memory_space<hbm>> -> memref<32x1024xf32, #tpu.memory_space<hbm>>
      %dma_wait3A_199 = arith.constant 0 : i32
      %dma_wait3A_200 = tpu.memref_slice %arg4[%add3A_34, %dma_wait3A_199] : memref<16384x1024xf32, #tpu.memory_space<hbm>> -> memref<32x1024xf32, #tpu.memory_space<hbm>>
      tpu.wait_dma2 semaphore(%run_scoped3A : memref<!tpu.dma_semaphore, #tpu.memory_space<semaphore_mem>>) src(%arg7 : memref<32x1024xf32, #tpu.memory_space<vmem>>) dst(%dma_wait3A_200 : memref<32x1024xf32, #tpu.memory_space<hbm>>)
      tpu.yield
    }) : () -> ()
    %dma_wait3A_35 = arith.constant 64 : i32
    %dma_wait3A_36 = tpu.memref_slice %arg5[%dma_wait3A_35] : memref<512xi32, #tpu.memory_space<vmem>> -> memref<32xi32, #tpu.memory_space<vmem>>
    %dma_wait3A_37 = arith.constant 0 : i32
    %dma_wait3A_38 = arith.constant 0 : i32
    %dma_wait3A_39 = tpu.memref_slice %arg2[%dma_wait3A_37, %dma_wait3A_38] : memref<32000x1024xf32, #tpu.memory_space<hbm>> -> memref<32000x1024xf32, #tpu.memory_space<hbm>>
    tpu.wait_indirect_dma semaphore(%arg11 : memref<!tpu.dma_semaphore, #tpu.memory_space<semaphore_mem>>) src(%dma_wait3A_39 : memref<32000x1024xf32, #tpu.memory_space<hbm>>) dst(%arg8 : memref<32x1024xf32, #tpu.memory_space<vmem>>)
    %dma_start3A_40 = arith.constant 128 : i32
    %dma_start3A_41 = tpu.memref_slice %arg5[%dma_start3A_40] : memref<512xi32, #tpu.memory_space<vmem>> -> memref<32xi32, #tpu.memory_space<vmem>>
    %dma_start3A_42 = arith.constant 0 : i32
    %dma_start3A_43 = arith.constant 0 : i32
    %dma_start3A_44 = tpu.memref_slice %arg2[%dma_start3A_42, %dma_start3A_43] : memref<32000x1024xf32, #tpu.memory_space<hbm>> -> memref<32000x1024xf32, #tpu.memory_space<hbm>>
    tpu.enqueue_indirect_dma source(%dma_start3A_44 : memref<32000x1024xf32, #tpu.memory_space<hbm>>) target(%arg7 : memref<32x1024xf32, #tpu.memory_space<vmem>>) offsets(%dma_start3A_41 : memref<32xi32, #tpu.memory_space<vmem>>) semaphore(%arg10 : memref<!tpu.dma_semaphore, #tpu.memory_space<semaphore_mem>>)
    %add3A_45 = arith.constant 64 : i32
    %add3A_46 = arith.addi %mul3A_2, %add3A_45 : i32
    "tpu.region"() ({
      %run_scoped3A = tpu.sem_alloc : memref<!tpu.dma_semaphore, #tpu.memory_space<semaphore_mem>>
      %dma_start3A_193 = arith.constant 0 : i32
      %dma_start3A_194 = tpu.memref_slice %arg4[%add3A_46, %dma_start3A_193] : memref<16384x1024xf32, #tpu.memory_space<hbm>> -> memref<32x1024xf32, #tpu.memory_space<hbm>>
      %dma_start3A_195 = arith.constant 0 : i32
      %dma_start3A_196 = tpu.memref_slice %arg4[%add3A_46, %dma_start3A_195] : memref<16384x1024xf32, #tpu.memory_space<hbm>> -> memref<32x1024xf32, #tpu.memory_space<hbm>>
      tpu.enqueue_dma source(%arg8 : memref<32x1024xf32, #tpu.memory_space<vmem>>) target(%dma_start3A_196 : memref<32x1024xf32, #tpu.memory_space<hbm>>) target_semaphore(%run_scoped3A : memref<!tpu.dma_semaphore, #tpu.memory_space<semaphore_mem>>)
      %dma_wait3A_197 = arith.constant 0 : i32
      %dma_wait3A_198 = tpu.memref_slice %arg4[%add3A_46, %dma_wait3A_197] : memref<16384x1024xf32, #tpu.memory_space<hbm>> -> memref<32x1024xf32, #tpu.memory_space<hbm>>
      %dma_wait3A_199 = arith.constant 0 : i32
      %dma_wait3A_200 = tpu.memref_slice %arg4[%add3A_46, %dma_wait3A_199] : memref<16384x1024xf32, #tpu.memory_space<hbm>> -> memref<32x1024xf32, #tpu.memory_space<hbm>>
      tpu.wait_dma2 semaphore(%run_scoped3A : memref<!tpu.dma_semaphore, #tpu.memory_space<semaphore_mem>>) src(%arg8 : memref<32x1024xf32, #tpu.memory_space<vmem>>) dst(%dma_wait3A_200 : memref<32x1024xf32, #tpu.memory_space<hbm>>)
      tpu.yield
    }) : () -> ()
    %dma_wait3A_47 = arith.constant 96 : i32
    %dma_wait3A_48 = tpu.memref_slice %arg5[%dma_wait3A_47] : memref<512xi32, #tpu.memory_space<vmem>> -> memref<32xi32, #tpu.memory_space<vmem>>
    %dma_wait3A_49 = arith.constant 0 : i32
    %dma_wait3A_50 = arith.constant 0 : i32
    %dma_wait3A_51 = tpu.memref_slice %arg2[%dma_wait3A_49, %dma_wait3A_50] : memref<32000x1024xf32, #tpu.memory_space<hbm>> -> memref<32000x1024xf32, #tpu.memory_space<hbm>>
    tpu.wait_indirect_dma semaphore(%arg9 : memref<!tpu.dma_semaphore, #tpu.memory_space<semaphore_mem>>) src(%dma_wait3A_51 : memref<32000x1024xf32, #tpu.memory_space<hbm>>) dst(%arg6 : memref<32x1024xf32, #tpu.memory_space<vmem>>)
    %dma_start3A_52 = arith.constant 160 : i32
    %dma_start3A_53 = tpu.memref_slice %arg5[%dma_start3A_52] : memref<512xi32, #tpu.memory_space<vmem>> -> memref<32xi32, #tpu.memory_space<vmem>>
    %dma_start3A_54 = arith.constant 0 : i32
    %dma_start3A_55 = arith.constant 0 : i32
    %dma_start3A_56 = tpu.memref_slice %arg2[%dma_start3A_54, %dma_start3A_55] : memref<32000x1024xf32, #tpu.memory_space<hbm>> -> memref<32000x1024xf32, #tpu.memory_space<hbm>>
    tpu.enqueue_indirect_dma source(%dma_start3A_56 : memref<32000x1024xf32, #tpu.memory_space<hbm>>) target(%arg8 : memref<32x1024xf32, #tpu.memory_space<vmem>>) offsets(%dma_start3A_53 : memref<32xi32, #tpu.memory_space<vmem>>) semaphore(%arg11 : memref<!tpu.dma_semaphore, #tpu.memory_space<semaphore_mem>>)
    %add3A_57 = arith.constant 96 : i32
    %add3A_58 = arith.addi %mul3A_2, %add3A_57 : i32
    "tpu.region"() ({
      %run_scoped3A = tpu.sem_alloc : memref<!tpu.dma_semaphore, #tpu.memory_space<semaphore_mem>>
      %dma_start3A_193 = arith.constant 0 : i32
      %dma_start3A_194 = tpu.memref_slice %arg4[%add3A_58, %dma_start3A_193] : memref<16384x1024xf32, #tpu.memory_space<hbm>> -> memref<32x1024xf32, #tpu.memory_space<hbm>>
      %dma_start3A_195 = arith.constant 0 : i32
      %dma_start3A_196 = tpu.memref_slice %arg4[%add3A_58, %dma_start3A_195] : memref<16384x1024xf32, #tpu.memory_space<hbm>> -> memref<32x1024xf32, #tpu.memory_space<hbm>>
      tpu.enqueue_dma source(%arg6 : memref<32x1024xf32, #tpu.memory_space<vmem>>) target(%dma_start3A_196 : memref<32x1024xf32, #tpu.memory_space<hbm>>) target_semaphore(%run_scoped3A : memref<!tpu.dma_semaphore, #tpu.memory_space<semaphore_mem>>)
      %dma_wait3A_197 = arith.constant 0 : i32
      %dma_wait3A_198 = tpu.memref_slice %arg4[%add3A_58, %dma_wait3A_197] : memref<16384x1024xf32, #tpu.memory_space<hbm>> -> memref<32x1024xf32, #tpu.memory_space<hbm>>
      %dma_wait3A_199 = arith.constant 0 : i32
      %dma_wait3A_200 = tpu.memref_slice %arg4[%add3A_58, %dma_wait3A_199] : memref<16384x1024xf32, #tpu.memory_space<hbm>> -> memref<32x1024xf32, #tpu.memory_space<hbm>>
      tpu.wait_dma2 semaphore(%run_scoped3A : memref<!tpu.dma_semaphore, #tpu.memory_space<semaphore_mem>>) src(%arg6 : memref<32x1024xf32, #tpu.memory_space<vmem>>) dst(%dma_wait3A_200 : memref<32x1024xf32, #tpu.memory_space<hbm>>)
      tpu.yield
    }) : () -> ()
    %dma_wait3A_59 = arith.constant 128 : i32
    %dma_wait3A_60 = tpu.memref_slice %arg5[%dma_wait3A_59] : memref<512xi32, #tpu.memory_space<vmem>> -> memref<32xi32, #tpu.memory_space<vmem>>
    %dma_wait3A_61 = arith.constant 0 : i32
    %dma_wait3A_62 = arith.constant 0 : i32
    %dma_wait3A_63 = tpu.memref_slice %arg2[%dma_wait3A_61, %dma_wait3A_62] : memref<32000x1024xf32, #tpu.memory_space<hbm>> -> memref<32000x1024xf32, #tpu.memory_space<hbm>>
    tpu.wait_indirect_dma semaphore(%arg10 : memref<!tpu.dma_semaphore, #tpu.memory_space<semaphore_mem>>) src(%dma_wait3A_63 : memref<32000x1024xf32, #tpu.memory_space<hbm>>) dst(%arg7 : memref<32x1024xf32, #tpu.memory_space<vmem>>)
    %dma_start3A_64 = arith.constant 192 : i32
    %dma_start3A_65 = tpu.memref_slice %arg5[%dma_start3A_64] : memref<512xi32, #tpu.memory_space<vmem>> -> memref<32xi32, #tpu.memory_space<vmem>>
    %dma_start3A_66 = arith.constant 0 : i32
    %dma_start3A_67 = arith.constant 0 : i32
    %dma_start3A_68 = tpu.memref_slice %arg2[%dma_start3A_66, %dma_start3A_67] : memref<32000x1024xf32, #tpu.memory_space<hbm>> -> memref<32000x1024xf32, #tpu.memory_space<hbm>>
    tpu.enqueue_indirect_dma source(%dma_start3A_68 : memref<32000x1024xf32, #tpu.memory_space<hbm>>) target(%arg6 : memref<32x1024xf32, #tpu.memory_space<vmem>>) offsets(%dma_start3A_65 : memref<32xi32, #tpu.memory_space<vmem>>) semaphore(%arg9 : memref<!tpu.dma_semaphore, #tpu.memory_space<semaphore_mem>>)
    %add3A_69 = arith.constant 128 : i32
    %add3A_70 = arith.addi %mul3A_2, %add3A_69 : i32
    "tpu.region"() ({
      %run_scoped3A = tpu.sem_alloc : memref<!tpu.dma_semaphore, #tpu.memory_space<semaphore_mem>>
      %dma_start3A_193 = arith.constant 0 : i32
      %dma_start3A_194 = tpu.memref_slice %arg4[%add3A_70, %dma_start3A_193] : memref<16384x1024xf32, #tpu.memory_space<hbm>> -> memref<32x1024xf32, #tpu.memory_space<hbm>>
      %dma_start3A_195 = arith.constant 0 : i32
      %dma_start3A_196 = tpu.memref_slice %arg4[%add3A_70, %dma_start3A_195] : memref<16384x1024xf32, #tpu.memory_space<hbm>> -> memref<32x1024xf32, #tpu.memory_space<hbm>>
      tpu.enqueue_dma source(%arg7 : memref<32x1024xf32, #tpu.memory_space<vmem>>) target(%dma_start3A_196 : memref<32x1024xf32, #tpu.memory_space<hbm>>) target_semaphore(%run_scoped3A : memref<!tpu.dma_semaphore, #tpu.memory_space<semaphore_mem>>)
      %dma_wait3A_197 = arith.constant 0 : i32
      %dma_wait3A_198 = tpu.memref_slice %arg4[%add3A_70, %dma_wait3A_197] : memref<16384x1024xf32, #tpu.memory_space<hbm>> -> memref<32x1024xf32, #tpu.memory_space<hbm>>
      %dma_wait3A_199 = arith.constant 0 : i32
      %dma_wait3A_200 = tpu.memref_slice %arg4[%add3A_70, %dma_wait3A_199] : memref<16384x1024xf32, #tpu.memory_space<hbm>> -> memref<32x1024xf32, #tpu.memory_space<hbm>>
      tpu.wait_dma2 semaphore(%run_scoped3A : memref<!tpu.dma_semaphore, #tpu.memory_space<semaphore_mem>>) src(%arg7 : memref<32x1024xf32, #tpu.memory_space<vmem>>) dst(%dma_wait3A_200 : memref<32x1024xf32, #tpu.memory_space<hbm>>)
      tpu.yield
    }) : () -> ()
    %dma_wait3A_71 = arith.constant 160 : i32
    %dma_wait3A_72 = tpu.memref_slice %arg5[%dma_wait3A_71] : memref<512xi32, #tpu.memory_space<vmem>> -> memref<32xi32, #tpu.memory_space<vmem>>
    %dma_wait3A_73 = arith.constant 0 : i32
    %dma_wait3A_74 = arith.constant 0 : i32
    %dma_wait3A_75 = tpu.memref_slice %arg2[%dma_wait3A_73, %dma_wait3A_74] : memref<32000x1024xf32, #tpu.memory_space<hbm>> -> memref<32000x1024xf32, #tpu.memory_space<hbm>>
    tpu.wait_indirect_dma semaphore(%arg11 : memref<!tpu.dma_semaphore, #tpu.memory_space<semaphore_mem>>) src(%dma_wait3A_75 : memref<32000x1024xf32, #tpu.memory_space<hbm>>) dst(%arg8 : memref<32x1024xf32, #tpu.memory_space<vmem>>)
    %dma_start3A_76 = arith.constant 224 : i32
    %dma_start3A_77 = tpu.memref_slice %arg5[%dma_start3A_76] : memref<512xi32, #tpu.memory_space<vmem>> -> memref<32xi32, #tpu.memory_space<vmem>>
    %dma_start3A_78 = arith.constant 0 : i32
    %dma_start3A_79 = arith.constant 0 : i32
    %dma_start3A_80 = tpu.memref_slice %arg2[%dma_start3A_78, %dma_start3A_79] : memref<32000x1024xf32, #tpu.memory_space<hbm>> -> memref<32000x1024xf32, #tpu.memory_space<hbm>>
    tpu.enqueue_indirect_dma source(%dma_start3A_80 : memref<32000x1024xf32, #tpu.memory_space<hbm>>) target(%arg7 : memref<32x1024xf32, #tpu.memory_space<vmem>>) offsets(%dma_start3A_77 : memref<32xi32, #tpu.memory_space<vmem>>) semaphore(%arg10 : memref<!tpu.dma_semaphore, #tpu.memory_space<semaphore_mem>>)
    %add3A_81 = arith.constant 160 : i32
    %add3A_82 = arith.addi %mul3A_2, %add3A_81 : i32
    "tpu.region"() ({
      %run_scoped3A = tpu.sem_alloc : memref<!tpu.dma_semaphore, #tpu.memory_space<semaphore_mem>>
      %dma_start3A_193 = arith.constant 0 : i32
      %dma_start3A_194 = tpu.memref_slice %arg4[%add3A_82, %dma_start3A_193] : memref<16384x1024xf32, #tpu.memory_space<hbm>> -> memref<32x1024xf32, #tpu.memory_space<hbm>>
      %dma_start3A_195 = arith.constant 0 : i32
      %dma_start3A_196 = tpu.memref_slice %arg4[%add3A_82, %dma_start3A_195] : memref<16384x1024xf32, #tpu.memory_space<hbm>> -> memref<32x1024xf32, #tpu.memory_space<hbm>>
      tpu.enqueue_dma source(%arg8 : memref<32x1024xf32, #tpu.memory_space<vmem>>) target(%dma_start3A_196 : memref<32x1024xf32, #tpu.memory_space<hbm>>) target_semaphore(%run_scoped3A : memref<!tpu.dma_semaphore, #tpu.memory_space<semaphore_mem>>)
      %dma_wait3A_197 = arith.constant 0 : i32
      %dma_wait3A_198 = tpu.memref_slice %arg4[%add3A_82, %dma_wait3A_197] : memref<16384x1024xf32, #tpu.memory_space<hbm>> -> memref<32x1024xf32, #tpu.memory_space<hbm>>
      %dma_wait3A_199 = arith.constant 0 : i32
      %dma_wait3A_200 = tpu.memref_slice %arg4[%add3A_82, %dma_wait3A_199] : memref<16384x1024xf32, #tpu.memory_space<hbm>> -> memref<32x1024xf32, #tpu.memory_space<hbm>>
      tpu.wait_dma2 semaphore(%run_scoped3A : memref<!tpu.dma_semaphore, #tpu.memory_space<semaphore_mem>>) src(%arg8 : memref<32x1024xf32, #tpu.memory_space<vmem>>) dst(%dma_wait3A_200 : memref<32x1024xf32, #tpu.memory_space<hbm>>)
      tpu.yield
    }) : () -> ()
    %dma_wait3A_83 = arith.constant 192 : i32
    %dma_wait3A_84 = tpu.memref_slice %arg5[%dma_wait3A_83] : memref<512xi32, #tpu.memory_space<vmem>> -> memref<32xi32, #tpu.memory_space<vmem>>
    %dma_wait3A_85 = arith.constant 0 : i32
    %dma_wait3A_86 = arith.constant 0 : i32
    %dma_wait3A_87 = tpu.memref_slice %arg2[%dma_wait3A_85, %dma_wait3A_86] : memref<32000x1024xf32, #tpu.memory_space<hbm>> -> memref<32000x1024xf32, #tpu.memory_space<hbm>>
    tpu.wait_indirect_dma semaphore(%arg9 : memref<!tpu.dma_semaphore, #tpu.memory_space<semaphore_mem>>) src(%dma_wait3A_87 : memref<32000x1024xf32, #tpu.memory_space<hbm>>) dst(%arg6 : memref<32x1024xf32, #tpu.memory_space<vmem>>)
    %dma_start3A_88 = arith.constant 256 : i32
    %dma_start3A_89 = tpu.memref_slice %arg5[%dma_start3A_88] : memref<512xi32, #tpu.memory_space<vmem>> -> memref<32xi32, #tpu.memory_space<vmem>>
    %dma_start3A_90 = arith.constant 0 : i32
    %dma_start3A_91 = arith.constant 0 : i32
    %dma_start3A_92 = tpu.memref_slice %arg2[%dma_start3A_90, %dma_start3A_91] : memref<32000x1024xf32, #tpu.memory_space<hbm>> -> memref<32000x1024xf32, #tpu.memory_space<hbm>>
    tpu.enqueue_indirect_dma source(%dma_start3A_92 : memref<32000x1024xf32, #tpu.memory_space<hbm>>) target(%arg8 : memref<32x1024xf32, #tpu.memory_space<vmem>>) offsets(%dma_start3A_89 : memref<32xi32, #tpu.memory_space<vmem>>) semaphore(%arg11 : memref<!tpu.dma_semaphore, #tpu.memory_space<semaphore_mem>>)
    %add3A_93 = arith.constant 192 : i32
    %add3A_94 = arith.addi %mul3A_2, %add3A_93 : i32
    "tpu.region"() ({
      %run_scoped3A = tpu.sem_alloc : memref<!tpu.dma_semaphore, #tpu.memory_space<semaphore_mem>>
      %dma_start3A_193 = arith.constant 0 : i32
      %dma_start3A_194 = tpu.memref_slice %arg4[%add3A_94, %dma_start3A_193] : memref<16384x1024xf32, #tpu.memory_space<hbm>> -> memref<32x1024xf32, #tpu.memory_space<hbm>>
      %dma_start3A_195 = arith.constant 0 : i32
      %dma_start3A_196 = tpu.memref_slice %arg4[%add3A_94, %dma_start3A_195] : memref<16384x1024xf32, #tpu.memory_space<hbm>> -> memref<32x1024xf32, #tpu.memory_space<hbm>>
      tpu.enqueue_dma source(%arg6 : memref<32x1024xf32, #tpu.memory_space<vmem>>) target(%dma_start3A_196 : memref<32x1024xf32, #tpu.memory_space<hbm>>) target_semaphore(%run_scoped3A : memref<!tpu.dma_semaphore, #tpu.memory_space<semaphore_mem>>)
      %dma_wait3A_197 = arith.constant 0 : i32
      %dma_wait3A_198 = tpu.memref_slice %arg4[%add3A_94, %dma_wait3A_197] : memref<16384x1024xf32, #tpu.memory_space<hbm>> -> memref<32x1024xf32, #tpu.memory_space<hbm>>
      %dma_wait3A_199 = arith.constant 0 : i32
      %dma_wait3A_200 = tpu.memref_slice %arg4[%add3A_94, %dma_wait3A_199] : memref<16384x1024xf32, #tpu.memory_space<hbm>> -> memref<32x1024xf32, #tpu.memory_space<hbm>>
      tpu.wait_dma2 semaphore(%run_scoped3A : memref<!tpu.dma_semaphore, #tpu.memory_space<semaphore_mem>>) src(%arg6 : memref<32x1024xf32, #tpu.memory_space<vmem>>) dst(%dma_wait3A_200 : memref<32x1024xf32, #tpu.memory_space<hbm>>)
      tpu.yield
    }) : () -> ()
    %dma_wait3A_95 = arith.constant 224 : i32
    %dma_wait3A_96 = tpu.memref_slice %arg5[%dma_wait3A_95] : memref<512xi32, #tpu.memory_space<vmem>> -> memref<32xi32, #tpu.memory_space<vmem>>
    %dma_wait3A_97 = arith.constant 0 : i32
    %dma_wait3A_98 = arith.constant 0 : i32
    %dma_wait3A_99 = tpu.memref_slice %arg2[%dma_wait3A_97, %dma_wait3A_98] : memref<32000x1024xf32, #tpu.memory_space<hbm>> -> memref<32000x1024xf32, #tpu.memory_space<hbm>>
    tpu.wait_indirect_dma semaphore(%arg10 : memref<!tpu.dma_semaphore, #tpu.memory_space<semaphore_mem>>) src(%dma_wait3A_99 : memref<32000x1024xf32, #tpu.memory_space<hbm>>) dst(%arg7 : memref<32x1024xf32, #tpu.memory_space<vmem>>)
    %dma_start3A_100 = arith.constant 288 : i32
    %dma_start3A_101 = tpu.memref_slice %arg5[%dma_start3A_100] : memref<512xi32, #tpu.memory_space<vmem>> -> memref<32xi32, #tpu.memory_space<vmem>>
    %dma_start3A_102 = arith.constant 0 : i32
    %dma_start3A_103 = arith.constant 0 : i32
    %dma_start3A_104 = tpu.memref_slice %arg2[%dma_start3A_102, %dma_start3A_103] : memref<32000x1024xf32, #tpu.memory_space<hbm>> -> memref<32000x1024xf32, #tpu.memory_space<hbm>>
    tpu.enqueue_indirect_dma source(%dma_start3A_104 : memref<32000x1024xf32, #tpu.memory_space<hbm>>) target(%arg6 : memref<32x1024xf32, #tpu.memory_space<vmem>>) offsets(%dma_start3A_101 : memref<32xi32, #tpu.memory_space<vmem>>) semaphore(%arg9 : memref<!tpu.dma_semaphore, #tpu.memory_space<semaphore_mem>>)
    %add3A_105 = arith.constant 224 : i32
    %add3A_106 = arith.addi %mul3A_2, %add3A_105 : i32
    "tpu.region"() ({
      %run_scoped3A = tpu.sem_alloc : memref<!tpu.dma_semaphore, #tpu.memory_space<semaphore_mem>>
      %dma_start3A_193 = arith.constant 0 : i32
      %dma_start3A_194 = tpu.memref_slice %arg4[%add3A_106, %dma_start3A_193] : memref<16384x1024xf32, #tpu.memory_space<hbm>> -> memref<32x1024xf32, #tpu.memory_space<hbm>>
      %dma_start3A_195 = arith.constant 0 : i32
      %dma_start3A_196 = tpu.memref_slice %arg4[%add3A_106, %dma_start3A_195] : memref<16384x1024xf32, #tpu.memory_space<hbm>> -> memref<32x1024xf32, #tpu.memory_space<hbm>>
      tpu.enqueue_dma source(%arg7 : memref<32x1024xf32, #tpu.memory_space<vmem>>) target(%dma_start3A_196 : memref<32x1024xf32, #tpu.memory_space<hbm>>) target_semaphore(%run_scoped3A : memref<!tpu.dma_semaphore, #tpu.memory_space<semaphore_mem>>)
      %dma_wait3A_197 = arith.constant 0 : i32
      %dma_wait3A_198 = tpu.memref_slice %arg4[%add3A_106, %dma_wait3A_197] : memref<16384x1024xf32, #tpu.memory_space<hbm>> -> memref<32x1024xf32, #tpu.memory_space<hbm>>
      %dma_wait3A_199 = arith.constant 0 : i32
      %dma_wait3A_200 = tpu.memref_slice %arg4[%add3A_106, %dma_wait3A_199] : memref<16384x1024xf32, #tpu.memory_space<hbm>> -> memref<32x1024xf32, #tpu.memory_space<hbm>>
      tpu.wait_dma2 semaphore(%run_scoped3A : memref<!tpu.dma_semaphore, #tpu.memory_space<semaphore_mem>>) src(%arg7 : memref<32x1024xf32, #tpu.memory_space<vmem>>) dst(%dma_wait3A_200 : memref<32x1024xf32, #tpu.memory_space<hbm>>)
      tpu.yield
    }) : () -> ()
    %dma_wait3A_107 = arith.constant 256 : i32
    %dma_wait3A_108 = tpu.memref_slice %arg5[%dma_wait3A_107] : memref<512xi32, #tpu.memory_space<vmem>> -> memref<32xi32, #tpu.memory_space<vmem>>
    %dma_wait3A_109 = arith.constant 0 : i32
    %dma_wait3A_110 = arith.constant 0 : i32
    %dma_wait3A_111 = tpu.memref_slice %arg2[%dma_wait3A_109, %dma_wait3A_110] : memref<32000x1024xf32, #tpu.memory_space<hbm>> -> memref<32000x1024xf32, #tpu.memory_space<hbm>>
    tpu.wait_indirect_dma semaphore(%arg11 : memref<!tpu.dma_semaphore, #tpu.memory_space<semaphore_mem>>) src(%dma_wait3A_111 : memref<32000x1024xf32, #tpu.memory_space<hbm>>) dst(%arg8 : memref<32x1024xf32, #tpu.memory_space<vmem>>)
    %dma_start3A_112 = arith.constant 320 : i32
    %dma_start3A_113 = tpu.memref_slice %arg5[%dma_start3A_112] : memref<512xi32, #tpu.memory_space<vmem>> -> memref<32xi32, #tpu.memory_space<vmem>>
    %dma_start3A_114 = arith.constant 0 : i32
    %dma_start3A_115 = arith.constant 0 : i32
    %dma_start3A_116 = tpu.memref_slice %arg2[%dma_start3A_114, %dma_start3A_115] : memref<32000x1024xf32, #tpu.memory_space<hbm>> -> memref<32000x1024xf32, #tpu.memory_space<hbm>>
    tpu.enqueue_indirect_dma source(%dma_start3A_116 : memref<32000x1024xf32, #tpu.memory_space<hbm>>) target(%arg7 : memref<32x1024xf32, #tpu.memory_space<vmem>>) offsets(%dma_start3A_113 : memref<32xi32, #tpu.memory_space<vmem>>) semaphore(%arg10 : memref<!tpu.dma_semaphore, #tpu.memory_space<semaphore_mem>>)
    %add3A_117 = arith.constant 256 : i32
    %add3A_118 = arith.addi %mul3A_2, %add3A_117 : i32
    "tpu.region"() ({
      %run_scoped3A = tpu.sem_alloc : memref<!tpu.dma_semaphore, #tpu.memory_space<semaphore_mem>>
      %dma_start3A_193 = arith.constant 0 : i32
      %dma_start3A_194 = tpu.memref_slice %arg4[%add3A_118, %dma_start3A_193] : memref<16384x1024xf32, #tpu.memory_space<hbm>> -> memref<32x1024xf32, #tpu.memory_space<hbm>>
      %dma_start3A_195 = arith.constant 0 : i32
      %dma_start3A_196 = tpu.memref_slice %arg4[%add3A_118, %dma_start3A_195] : memref<16384x1024xf32, #tpu.memory_space<hbm>> -> memref<32x1024xf32, #tpu.memory_space<hbm>>
      tpu.enqueue_dma source(%arg8 : memref<32x1024xf32, #tpu.memory_space<vmem>>) target(%dma_start3A_196 : memref<32x1024xf32, #tpu.memory_space<hbm>>) target_semaphore(%run_scoped3A : memref<!tpu.dma_semaphore, #tpu.memory_space<semaphore_mem>>)
      %dma_wait3A_197 = arith.constant 0 : i32
      %dma_wait3A_198 = tpu.memref_slice %arg4[%add3A_118, %dma_wait3A_197] : memref<16384x1024xf32, #tpu.memory_space<hbm>> -> memref<32x1024xf32, #tpu.memory_space<hbm>>
      %dma_wait3A_199 = arith.constant 0 : i32
      %dma_wait3A_200 = tpu.memref_slice %arg4[%add3A_118, %dma_wait3A_199] : memref<16384x1024xf32, #tpu.memory_space<hbm>> -> memref<32x1024xf32, #tpu.memory_space<hbm>>
      tpu.wait_dma2 semaphore(%run_scoped3A : memref<!tpu.dma_semaphore, #tpu.memory_space<semaphore_mem>>) src(%arg8 : memref<32x1024xf32, #tpu.memory_space<vmem>>) dst(%dma_wait3A_200 : memref<32x1024xf32, #tpu.memory_space<hbm>>)
      tpu.yield
    }) : () -> ()
    %dma_wait3A_119 = arith.constant 288 : i32
    %dma_wait3A_120 = tpu.memref_slice %arg5[%dma_wait3A_119] : memref<512xi32, #tpu.memory_space<vmem>> -> memref<32xi32, #tpu.memory_space<vmem>>
    %dma_wait3A_121 = arith.constant 0 : i32
    %dma_wait3A_122 = arith.constant 0 : i32
    %dma_wait3A_123 = tpu.memref_slice %arg2[%dma_wait3A_121, %dma_wait3A_122] : memref<32000x1024xf32, #tpu.memory_space<hbm>> -> memref<32000x1024xf32, #tpu.memory_space<hbm>>
    tpu.wait_indirect_dma semaphore(%arg9 : memref<!tpu.dma_semaphore, #tpu.memory_space<semaphore_mem>>) src(%dma_wait3A_123 : memref<32000x1024xf32, #tpu.memory_space<hbm>>) dst(%arg6 : memref<32x1024xf32, #tpu.memory_space<vmem>>)
    %dma_start3A_124 = arith.constant 352 : i32
    %dma_start3A_125 = tpu.memref_slice %arg5[%dma_start3A_124] : memref<512xi32, #tpu.memory_space<vmem>> -> memref<32xi32, #tpu.memory_space<vmem>>
    %dma_start3A_126 = arith.constant 0 : i32
    %dma_start3A_127 = arith.constant 0 : i32
    %dma_start3A_128 = tpu.memref_slice %arg2[%dma_start3A_126, %dma_start3A_127] : memref<32000x1024xf32, #tpu.memory_space<hbm>> -> memref<32000x1024xf32, #tpu.memory_space<hbm>>
    tpu.enqueue_indirect_dma source(%dma_start3A_128 : memref<32000x1024xf32, #tpu.memory_space<hbm>>) target(%arg8 : memref<32x1024xf32, #tpu.memory_space<vmem>>) offsets(%dma_start3A_125 : memref<32xi32, #tpu.memory_space<vmem>>) semaphore(%arg11 : memref<!tpu.dma_semaphore, #tpu.memory_space<semaphore_mem>>)
    %add3A_129 = arith.constant 288 : i32
    %add3A_130 = arith.addi %mul3A_2, %add3A_129 : i32
    "tpu.region"() ({
      %run_scoped3A = tpu.sem_alloc : memref<!tpu.dma_semaphore, #tpu.memory_space<semaphore_mem>>
      %dma_start3A_193 = arith.constant 0 : i32
      %dma_start3A_194 = tpu.memref_slice %arg4[%add3A_130, %dma_start3A_193] : memref<16384x1024xf32, #tpu.memory_space<hbm>> -> memref<32x1024xf32, #tpu.memory_space<hbm>>
      %dma_start3A_195 = arith.constant 0 : i32
      %dma_start3A_196 = tpu.memref_slice %arg4[%add3A_130, %dma_start3A_195] : memref<16384x1024xf32, #tpu.memory_space<hbm>> -> memref<32x1024xf32, #tpu.memory_space<hbm>>
      tpu.enqueue_dma source(%arg6 : memref<32x1024xf32, #tpu.memory_space<vmem>>) target(%dma_start3A_196 : memref<32x1024xf32, #tpu.memory_space<hbm>>) target_semaphore(%run_scoped3A : memref<!tpu.dma_semaphore, #tpu.memory_space<semaphore_mem>>)
      %dma_wait3A_197 = arith.constant 0 : i32
      %dma_wait3A_198 = tpu.memref_slice %arg4[%add3A_130, %dma_wait3A_197] : memref<16384x1024xf32, #tpu.memory_space<hbm>> -> memref<32x1024xf32, #tpu.memory_space<hbm>>
      %dma_wait3A_199 = arith.constant 0 : i32
      %dma_wait3A_200 = tpu.memref_slice %arg4[%add3A_130, %dma_wait3A_199] : memref<16384x1024xf32, #tpu.memory_space<hbm>> -> memref<32x1024xf32, #tpu.memory_space<hbm>>
      tpu.wait_dma2 semaphore(%run_scoped3A : memref<!tpu.dma_semaphore, #tpu.memory_space<semaphore_mem>>) src(%arg6 : memref<32x1024xf32, #tpu.memory_space<vmem>>) dst(%dma_wait3A_200 : memref<32x1024xf32, #tpu.memory_space<hbm>>)
      tpu.yield
    }) : () -> ()
    %dma_wait3A_131 = arith.constant 320 : i32
    %dma_wait3A_132 = tpu.memref_slice %arg5[%dma_wait3A_131] : memref<512xi32, #tpu.memory_space<vmem>> -> memref<32xi32, #tpu.memory_space<vmem>>
    %dma_wait3A_133 = arith.constant 0 : i32
    %dma_wait3A_134 = arith.constant 0 : i32
    %dma_wait3A_135 = tpu.memref_slice %arg2[%dma_wait3A_133, %dma_wait3A_134] : memref<32000x1024xf32, #tpu.memory_space<hbm>> -> memref<32000x1024xf32, #tpu.memory_space<hbm>>
    tpu.wait_indirect_dma semaphore(%arg10 : memref<!tpu.dma_semaphore, #tpu.memory_space<semaphore_mem>>) src(%dma_wait3A_135 : memref<32000x1024xf32, #tpu.memory_space<hbm>>) dst(%arg7 : memref<32x1024xf32, #tpu.memory_space<vmem>>)
    %dma_start3A_136 = arith.constant 384 : i32
    %dma_start3A_137 = tpu.memref_slice %arg5[%dma_start3A_136] : memref<512xi32, #tpu.memory_space<vmem>> -> memref<32xi32, #tpu.memory_space<vmem>>
    %dma_start3A_138 = arith.constant 0 : i32
    %dma_start3A_139 = arith.constant 0 : i32
    %dma_start3A_140 = tpu.memref_slice %arg2[%dma_start3A_138, %dma_start3A_139] : memref<32000x1024xf32, #tpu.memory_space<hbm>> -> memref<32000x1024xf32, #tpu.memory_space<hbm>>
    tpu.enqueue_indirect_dma source(%dma_start3A_140 : memref<32000x1024xf32, #tpu.memory_space<hbm>>) target(%arg6 : memref<32x1024xf32, #tpu.memory_space<vmem>>) offsets(%dma_start3A_137 : memref<32xi32, #tpu.memory_space<vmem>>) semaphore(%arg9 : memref<!tpu.dma_semaphore, #tpu.memory_space<semaphore_mem>>)
    %add3A_141 = arith.constant 320 : i32
    %add3A_142 = arith.addi %mul3A_2, %add3A_141 : i32
    "tpu.region"() ({
      %run_scoped3A = tpu.sem_alloc : memref<!tpu.dma_semaphore, #tpu.memory_space<semaphore_mem>>
      %dma_start3A_193 = arith.constant 0 : i32
      %dma_start3A_194 = tpu.memref_slice %arg4[%add3A_142, %dma_start3A_193] : memref<16384x1024xf32, #tpu.memory_space<hbm>> -> memref<32x1024xf32, #tpu.memory_space<hbm>>
      %dma_start3A_195 = arith.constant 0 : i32
      %dma_start3A_196 = tpu.memref_slice %arg4[%add3A_142, %dma_start3A_195] : memref<16384x1024xf32, #tpu.memory_space<hbm>> -> memref<32x1024xf32, #tpu.memory_space<hbm>>
      tpu.enqueue_dma source(%arg7 : memref<32x1024xf32, #tpu.memory_space<vmem>>) target(%dma_start3A_196 : memref<32x1024xf32, #tpu.memory_space<hbm>>) target_semaphore(%run_scoped3A : memref<!tpu.dma_semaphore, #tpu.memory_space<semaphore_mem>>)
      %dma_wait3A_197 = arith.constant 0 : i32
      %dma_wait3A_198 = tpu.memref_slice %arg4[%add3A_142, %dma_wait3A_197] : memref<16384x1024xf32, #tpu.memory_space<hbm>> -> memref<32x1024xf32, #tpu.memory_space<hbm>>
      %dma_wait3A_199 = arith.constant 0 : i32
      %dma_wait3A_200 = tpu.memref_slice %arg4[%add3A_142, %dma_wait3A_199] : memref<16384x1024xf32, #tpu.memory_space<hbm>> -> memref<32x1024xf32, #tpu.memory_space<hbm>>
      tpu.wait_dma2 semaphore(%run_scoped3A : memref<!tpu.dma_semaphore, #tpu.memory_space<semaphore_mem>>) src(%arg7 : memref<32x1024xf32, #tpu.memory_space<vmem>>) dst(%dma_wait3A_200 : memref<32x1024xf32, #tpu.memory_space<hbm>>)
      tpu.yield
    }) : () -> ()
    %dma_wait3A_143 = arith.constant 352 : i32
    %dma_wait3A_144 = tpu.memref_slice %arg5[%dma_wait3A_143] : memref<512xi32, #tpu.memory_space<vmem>> -> memref<32xi32, #tpu.memory_space<vmem>>
    %dma_wait3A_145 = arith.constant 0 : i32
    %dma_wait3A_146 = arith.constant 0 : i32
    %dma_wait3A_147 = tpu.memref_slice %arg2[%dma_wait3A_145, %dma_wait3A_146] : memref<32000x1024xf32, #tpu.memory_space<hbm>> -> memref<32000x1024xf32, #tpu.memory_space<hbm>>
    tpu.wait_indirect_dma semaphore(%arg11 : memref<!tpu.dma_semaphore, #tpu.memory_space<semaphore_mem>>) src(%dma_wait3A_147 : memref<32000x1024xf32, #tpu.memory_space<hbm>>) dst(%arg8 : memref<32x1024xf32, #tpu.memory_space<vmem>>)
    %dma_start3A_148 = arith.constant 416 : i32
    %dma_start3A_149 = tpu.memref_slice %arg5[%dma_start3A_148] : memref<512xi32, #tpu.memory_space<vmem>> -> memref<32xi32, #tpu.memory_space<vmem>>
    %dma_start3A_150 = arith.constant 0 : i32
    %dma_start3A_151 = arith.constant 0 : i32
    %dma_start3A_152 = tpu.memref_slice %arg2[%dma_start3A_150, %dma_start3A_151] : memref<32000x1024xf32, #tpu.memory_space<hbm>> -> memref<32000x1024xf32, #tpu.memory_space<hbm>>
    tpu.enqueue_indirect_dma source(%dma_start3A_152 : memref<32000x1024xf32, #tpu.memory_space<hbm>>) target(%arg7 : memref<32x1024xf32, #tpu.memory_space<vmem>>) offsets(%dma_start3A_149 : memref<32xi32, #tpu.memory_space<vmem>>) semaphore(%arg10 : memref<!tpu.dma_semaphore, #tpu.memory_space<semaphore_mem>>)
    %add3A_153 = arith.constant 352 : i32
    %add3A_154 = arith.addi %mul3A_2, %add3A_153 : i32
    "tpu.region"() ({
      %run_scoped3A = tpu.sem_alloc : memref<!tpu.dma_semaphore, #tpu.memory_space<semaphore_mem>>
      %dma_start3A_193 = arith.constant 0 : i32
      %dma_start3A_194 = tpu.memref_slice %arg4[%add3A_154, %dma_start3A_193] : memref<16384x1024xf32, #tpu.memory_space<hbm>> -> memref<32x1024xf32, #tpu.memory_space<hbm>>
      %dma_start3A_195 = arith.constant 0 : i32
      %dma_start3A_196 = tpu.memref_slice %arg4[%add3A_154, %dma_start3A_195] : memref<16384x1024xf32, #tpu.memory_space<hbm>> -> memref<32x1024xf32, #tpu.memory_space<hbm>>
      tpu.enqueue_dma source(%arg8 : memref<32x1024xf32, #tpu.memory_space<vmem>>) target(%dma_start3A_196 : memref<32x1024xf32, #tpu.memory_space<hbm>>) target_semaphore(%run_scoped3A : memref<!tpu.dma_semaphore, #tpu.memory_space<semaphore_mem>>)
      %dma_wait3A_197 = arith.constant 0 : i32
      %dma_wait3A_198 = tpu.memref_slice %arg4[%add3A_154, %dma_wait3A_197] : memref<16384x1024xf32, #tpu.memory_space<hbm>> -> memref<32x1024xf32, #tpu.memory_space<hbm>>
      %dma_wait3A_199 = arith.constant 0 : i32
      %dma_wait3A_200 = tpu.memref_slice %arg4[%add3A_154, %dma_wait3A_199] : memref<16384x1024xf32, #tpu.memory_space<hbm>> -> memref<32x1024xf32, #tpu.memory_space<hbm>>
      tpu.wait_dma2 semaphore(%run_scoped3A : memref<!tpu.dma_semaphore, #tpu.memory_space<semaphore_mem>>) src(%arg8 : memref<32x1024xf32, #tpu.memory_space<vmem>>) dst(%dma_wait3A_200 : memref<32x1024xf32, #tpu.memory_space<hbm>>)
      tpu.yield
    }) : () -> ()
    %dma_wait3A_155 = arith.constant 384 : i32
    %dma_wait3A_156 = tpu.memref_slice %arg5[%dma_wait3A_155] : memref<512xi32, #tpu.memory_space<vmem>> -> memref<32xi32, #tpu.memory_space<vmem>>
    %dma_wait3A_157 = arith.constant 0 : i32
    %dma_wait3A_158 = arith.constant 0 : i32
    %dma_wait3A_159 = tpu.memref_slice %arg2[%dma_wait3A_157, %dma_wait3A_158] : memref<32000x1024xf32, #tpu.memory_space<hbm>> -> memref<32000x1024xf32, #tpu.memory_space<hbm>>
    tpu.wait_indirect_dma semaphore(%arg9 : memref<!tpu.dma_semaphore, #tpu.memory_space<semaphore_mem>>) src(%dma_wait3A_159 : memref<32000x1024xf32, #tpu.memory_space<hbm>>) dst(%arg6 : memref<32x1024xf32, #tpu.memory_space<vmem>>)
    %dma_start3A_160 = arith.constant 448 : i32
    %dma_start3A_161 = tpu.memref_slice %arg5[%dma_start3A_160] : memref<512xi32, #tpu.memory_space<vmem>> -> memref<32xi32, #tpu.memory_space<vmem>>
    %dma_start3A_162 = arith.constant 0 : i32
    %dma_start3A_163 = arith.constant 0 : i32
    %dma_start3A_164 = tpu.memref_slice %arg2[%dma_start3A_162, %dma_start3A_163] : memref<32000x1024xf32, #tpu.memory_space<hbm>> -> memref<32000x1024xf32, #tpu.memory_space<hbm>>
    tpu.enqueue_indirect_dma source(%dma_start3A_164 : memref<32000x1024xf32, #tpu.memory_space<hbm>>) target(%arg8 : memref<32x1024xf32, #tpu.memory_space<vmem>>) offsets(%dma_start3A_161 : memref<32xi32, #tpu.memory_space<vmem>>) semaphore(%arg11 : memref<!tpu.dma_semaphore, #tpu.memory_space<semaphore_mem>>)
    %add3A_165 = arith.constant 384 : i32
    %add3A_166 = arith.addi %mul3A_2, %add3A_165 : i32
    "tpu.region"() ({
      %run_scoped3A = tpu.sem_alloc : memref<!tpu.dma_semaphore, #tpu.memory_space<semaphore_mem>>
      %dma_start3A_193 = arith.constant 0 : i32
      %dma_start3A_194 = tpu.memref_slice %arg4[%add3A_166, %dma_start3A_193] : memref<16384x1024xf32, #tpu.memory_space<hbm>> -> memref<32x1024xf32, #tpu.memory_space<hbm>>
      %dma_start3A_195 = arith.constant 0 : i32
      %dma_start3A_196 = tpu.memref_slice %arg4[%add3A_166, %dma_start3A_195] : memref<16384x1024xf32, #tpu.memory_space<hbm>> -> memref<32x1024xf32, #tpu.memory_space<hbm>>
      tpu.enqueue_dma source(%arg6 : memref<32x1024xf32, #tpu.memory_space<vmem>>) target(%dma_start3A_196 : memref<32x1024xf32, #tpu.memory_space<hbm>>) target_semaphore(%run_scoped3A : memref<!tpu.dma_semaphore, #tpu.memory_space<semaphore_mem>>)
      %dma_wait3A_197 = arith.constant 0 : i32
      %dma_wait3A_198 = tpu.memref_slice %arg4[%add3A_166, %dma_wait3A_197] : memref<16384x1024xf32, #tpu.memory_space<hbm>> -> memref<32x1024xf32, #tpu.memory_space<hbm>>
      %dma_wait3A_199 = arith.constant 0 : i32
      %dma_wait3A_200 = tpu.memref_slice %arg4[%add3A_166, %dma_wait3A_199] : memref<16384x1024xf32, #tpu.memory_space<hbm>> -> memref<32x1024xf32, #tpu.memory_space<hbm>>
      tpu.wait_dma2 semaphore(%run_scoped3A : memref<!tpu.dma_semaphore, #tpu.memory_space<semaphore_mem>>) src(%arg6 : memref<32x1024xf32, #tpu.memory_space<vmem>>) dst(%dma_wait3A_200 : memref<32x1024xf32, #tpu.memory_space<hbm>>)
      tpu.yield
    }) : () -> ()
    %dma_wait3A_167 = arith.constant 416 : i32
    %dma_wait3A_168 = tpu.memref_slice %arg5[%dma_wait3A_167] : memref<512xi32, #tpu.memory_space<vmem>> -> memref<32xi32, #tpu.memory_space<vmem>>
    %dma_wait3A_169 = arith.constant 0 : i32
    %dma_wait3A_170 = arith.constant 0 : i32
    %dma_wait3A_171 = tpu.memref_slice %arg2[%dma_wait3A_169, %dma_wait3A_170] : memref<32000x1024xf32, #tpu.memory_space<hbm>> -> memref<32000x1024xf32, #tpu.memory_space<hbm>>
    tpu.wait_indirect_dma semaphore(%arg10 : memref<!tpu.dma_semaphore, #tpu.memory_space<semaphore_mem>>) src(%dma_wait3A_171 : memref<32000x1024xf32, #tpu.memory_space<hbm>>) dst(%arg7 : memref<32x1024xf32, #tpu.memory_space<vmem>>)
    %dma_start3A_172 = arith.constant 480 : i32
    %dma_start3A_173 = tpu.memref_slice %arg5[%dma_start3A_172] : memref<512xi32, #tpu.memory_space<vmem>> -> memref<32xi32, #tpu.memory_space<vmem>>
    %dma_start3A_174 = arith.constant 0 : i32
    %dma_start3A_175 = arith.constant 0 : i32
    %dma_start3A_176 = tpu.memref_slice %arg2[%dma_start3A_174, %dma_start3A_175] : memref<32000x1024xf32, #tpu.memory_space<hbm>> -> memref<32000x1024xf32, #tpu.memory_space<hbm>>
    tpu.enqueue_indirect_dma source(%dma_start3A_176 : memref<32000x1024xf32, #tpu.memory_space<hbm>>) target(%arg6 : memref<32x1024xf32, #tpu.memory_space<vmem>>) offsets(%dma_start3A_173 : memref<32xi32, #tpu.memory_space<vmem>>) semaphore(%arg9 : memref<!tpu.dma_semaphore, #tpu.memory_space<semaphore_mem>>)
    %add3A_177 = arith.constant 416 : i32
    %add3A_178 = arith.addi %mul3A_2, %add3A_177 : i32
    "tpu.region"() ({
      %run_scoped3A = tpu.sem_alloc : memref<!tpu.dma_semaphore, #tpu.memory_space<semaphore_mem>>
      %dma_start3A_193 = arith.constant 0 : i32
      %dma_start3A_194 = tpu.memref_slice %arg4[%add3A_178, %dma_start3A_193] : memref<16384x1024xf32, #tpu.memory_space<hbm>> -> memref<32x1024xf32, #tpu.memory_space<hbm>>
      %dma_start3A_195 = arith.constant 0 : i32
      %dma_start3A_196 = tpu.memref_slice %arg4[%add3A_178, %dma_start3A_195] : memref<16384x1024xf32, #tpu.memory_space<hbm>> -> memref<32x1024xf32, #tpu.memory_space<hbm>>
      tpu.enqueue_dma source(%arg7 : memref<32x1024xf32, #tpu.memory_space<vmem>>) target(%dma_start3A_196 : memref<32x1024xf32, #tpu.memory_space<hbm>>) target_semaphore(%run_scoped3A : memref<!tpu.dma_semaphore, #tpu.memory_space<semaphore_mem>>)
      %dma_wait3A_197 = arith.constant 0 : i32
      %dma_wait3A_198 = tpu.memref_slice %arg4[%add3A_178, %dma_wait3A_197] : memref<16384x1024xf32, #tpu.memory_space<hbm>> -> memref<32x1024xf32, #tpu.memory_space<hbm>>
      %dma_wait3A_199 = arith.constant 0 : i32
      %dma_wait3A_200 = tpu.memref_slice %arg4[%add3A_178, %dma_wait3A_199] : memref<16384x1024xf32, #tpu.memory_space<hbm>> -> memref<32x1024xf32, #tpu.memory_space<hbm>>
      tpu.wait_dma2 semaphore(%run_scoped3A : memref<!tpu.dma_semaphore, #tpu.memory_space<semaphore_mem>>) src(%arg7 : memref<32x1024xf32, #tpu.memory_space<vmem>>) dst(%dma_wait3A_200 : memref<32x1024xf32, #tpu.memory_space<hbm>>)
      tpu.yield
    }) : () -> ()
    %dma_wait3A_179 = arith.constant 448 : i32
    %dma_wait3A_180 = tpu.memref_slice %arg5[%dma_wait3A_179] : memref<512xi32, #tpu.memory_space<vmem>> -> memref<32xi32, #tpu.memory_space<vmem>>
    %dma_wait3A_181 = arith.constant 0 : i32
    %dma_wait3A_182 = arith.constant 0 : i32
    %dma_wait3A_183 = tpu.memref_slice %arg2[%dma_wait3A_181, %dma_wait3A_182] : memref<32000x1024xf32, #tpu.memory_space<hbm>> -> memref<32000x1024xf32, #tpu.memory_space<hbm>>
    tpu.wait_indirect_dma semaphore(%arg11 : memref<!tpu.dma_semaphore, #tpu.memory_space<semaphore_mem>>) src(%dma_wait3A_183 : memref<32000x1024xf32, #tpu.memory_space<hbm>>) dst(%arg8 : memref<32x1024xf32, #tpu.memory_space<vmem>>)
    %add3A_184 = arith.constant 448 : i32
    %add3A_185 = arith.addi %mul3A_2, %add3A_184 : i32
    "tpu.region"() ({
      %run_scoped3A = tpu.sem_alloc : memref<!tpu.dma_semaphore, #tpu.memory_space<semaphore_mem>>
      %dma_start3A_193 = arith.constant 0 : i32
      %dma_start3A_194 = tpu.memref_slice %arg4[%add3A_185, %dma_start3A_193] : memref<16384x1024xf32, #tpu.memory_space<hbm>> -> memref<32x1024xf32, #tpu.memory_space<hbm>>
      %dma_start3A_195 = arith.constant 0 : i32
      %dma_start3A_196 = tpu.memref_slice %arg4[%add3A_185, %dma_start3A_195] : memref<16384x1024xf32, #tpu.memory_space<hbm>> -> memref<32x1024xf32, #tpu.memory_space<hbm>>
      tpu.enqueue_dma source(%arg8 : memref<32x1024xf32, #tpu.memory_space<vmem>>) target(%dma_start3A_196 : memref<32x1024xf32, #tpu.memory_space<hbm>>) target_semaphore(%run_scoped3A : memref<!tpu.dma_semaphore, #tpu.memory_space<semaphore_mem>>)
      %dma_wait3A_197 = arith.constant 0 : i32
      %dma_wait3A_198 = tpu.memref_slice %arg4[%add3A_185, %dma_wait3A_197] : memref<16384x1024xf32, #tpu.memory_space<hbm>> -> memref<32x1024xf32, #tpu.memory_space<hbm>>
      %dma_wait3A_199 = arith.constant 0 : i32
      %dma_wait3A_200 = tpu.memref_slice %arg4[%add3A_185, %dma_wait3A_199] : memref<16384x1024xf32, #tpu.memory_space<hbm>> -> memref<32x1024xf32, #tpu.memory_space<hbm>>
      tpu.wait_dma2 semaphore(%run_scoped3A : memref<!tpu.dma_semaphore, #tpu.memory_space<semaphore_mem>>) src(%arg8 : memref<32x1024xf32, #tpu.memory_space<vmem>>) dst(%dma_wait3A_200 : memref<32x1024xf32, #tpu.memory_space<hbm>>)
      tpu.yield
    }) : () -> ()
    %dma_wait3A_186 = arith.constant 480 : i32
    %dma_wait3A_187 = tpu.memref_slice %arg5[%dma_wait3A_186] : memref<512xi32, #tpu.memory_space<vmem>> -> memref<32xi32, #tpu.memory_space<vmem>>
    %dma_wait3A_188 = arith.constant 0 : i32
    %dma_wait3A_189 = arith.constant 0 : i32
    %dma_wait3A_190 = tpu.memref_slice %arg2[%dma_wait3A_188, %dma_wait3A_189] : memref<32000x1024xf32, #tpu.memory_space<hbm>> -> memref<32000x1024xf32, #tpu.memory_space<hbm>>
    tpu.wait_indirect_dma semaphore(%arg9 : memref<!tpu.dma_semaphore, #tpu.memory_space<semaphore_mem>>) src(%dma_wait3A_190 : memref<32000x1024xf32, #tpu.memory_space<hbm>>) dst(%arg6 : memref<32x1024xf32, #tpu.memory_space<vmem>>)
    %add3A_191 = arith.constant 480 : i32
    %add3A_192 = arith.addi %mul3A_2, %add3A_191 : i32
    "tpu.region"() ({
      %run_scoped3A = tpu.sem_alloc : memref<!tpu.dma_semaphore, #tpu.memory_space<semaphore_mem>>
      %dma_start3A_193 = arith.constant 0 : i32
      %dma_start3A_194 = tpu.memref_slice %arg4[%add3A_192, %dma_start3A_193] : memref<16384x1024xf32, #tpu.memory_space<hbm>> -> memref<32x1024xf32, #tpu.memory_space<hbm>>
      %dma_start3A_195 = arith.constant 0 : i32
      %dma_start3A_196 = tpu.memref_slice %arg4[%add3A_192, %dma_start3A_195] : memref<16384x1024xf32, #tpu.memory_space<hbm>> -> memref<32x1024xf32, #tpu.memory_space<hbm>>
      tpu.enqueue_dma source(%arg6 : memref<32x1024xf32, #tpu.memory_space<vmem>>) target(%dma_start3A_196 : memref<32x1024xf32, #tpu.memory_space<hbm>>) target_semaphore(%run_scoped3A : memref<!tpu.dma_semaphore, #tpu.memory_space<semaphore_mem>>)
      %dma_wait3A_197 = arith.constant 0 : i32
      %dma_wait3A_198 = tpu.memref_slice %arg4[%add3A_192, %dma_wait3A_197] : memref<16384x1024xf32, #tpu.memory_space<hbm>> -> memref<32x1024xf32, #tpu.memory_space<hbm>>
      %dma_wait3A_199 = arith.constant 0 : i32
      %dma_wait3A_200 = tpu.memref_slice %arg4[%add3A_192, %dma_wait3A_199] : memref<16384x1024xf32, #tpu.memory_space<hbm>> -> memref<32x1024xf32, #tpu.memory_space<hbm>>
      tpu.wait_dma2 semaphore(%run_scoped3A : memref<!tpu.dma_semaphore, #tpu.memory_space<semaphore_mem>>) src(%arg6 : memref<32x1024xf32, #tpu.memory_space<vmem>>) dst(%dma_wait3A_200 : memref<32x1024xf32, #tpu.memory_space<hbm>>)
      tpu.yield
    }) : () -> ()
    return
  }
}

module attributes {stable_mosaic.version = 14 : i64} {
  func.func @_mask_body(%arg0: memref<1024x1024xf32, #tpu.memory_space<vmem>>, %arg1: memref<1024x1024xf32, #tpu.memory_space<vmem>>, %arg2: memref<1024x1024xbf16, #tpu.memory_space<vmem>>, %arg3: memref<1024x1024xbf16, #tpu.memory_space<vmem>>, %arg4: memref<1024x1024xi32, #tpu.memory_space<vmem>>, %arg5: memref<1024x1024xi32, #tpu.memory_space<vmem>>) attributes {dimension_semantics = [], scalar_prefetch = 0 : i64, scratch_operands = 2 : i64, tpu.core_type = #tpu.core_type<tc>} {
    %get3A = arith.constant 0 : index
    %get3A_0 = arith.constant 0 : index
    %get3A_1 = vector.load %arg0[%get3A, %get3A_0] : memref<1024x1024xf32, #tpu.memory_space<vmem>>, vector<1024x1024xf32>
    %abs3A = math.absf %get3A_1 : vector<1024x1024xf32>
    %bitcast_convert_type3A = tpu.bitcast %abs3A : vector<1024x1024xf32> -> vector<1024x1024xi32>
    %swap3A = arith.constant 0 : index
    %swap3A_2 = arith.constant 0 : index
    %swap3A_3 = vector.load %arg4[%swap3A, %swap3A_2] : memref<1024x1024xi32, #tpu.memory_space<vmem>>, vector<1024x1024xi32>
    tpu.vector_store %arg4[%swap3A, %swap3A_2], %bitcast_convert_type3A {strides = array<i32>} : memref<1024x1024xi32, #tpu.memory_space<vmem>>, vector<1024x1024xi32>,
    %get3A_4 = arith.constant 0 : index
    %get3A_5 = arith.constant 0 : index
    %get3A_6 = vector.load %arg1[%get3A_4, %get3A_5] : memref<1024x1024xf32, #tpu.memory_space<vmem>>, vector<1024x1024xf32>
    %abs3A_7 = math.absf %get3A_6 : vector<1024x1024xf32>
    %bitcast_convert_type3A_8 = tpu.bitcast %abs3A_7 : vector<1024x1024xf32> -> vector<1024x1024xi32>
    %swap3A_9 = arith.constant 0 : index
    %swap3A_10 = arith.constant 0 : index
    %swap3A_11 = vector.load %arg5[%swap3A_9, %swap3A_10] : memref<1024x1024xi32, #tpu.memory_space<vmem>>, vector<1024x1024xi32>
    tpu.vector_store %arg5[%swap3A_9, %swap3A_10], %bitcast_convert_type3A_8 {strides = array<i32>} : memref<1024x1024xi32, #tpu.memory_space<vmem>>, vector<1024x1024xi32>,
    %shift_left3A = arith.constant 1 : i32
    %shift_left3A_12 = arith.constant 30 : i32
    %shift_left3A_13 = arith.shli %shift_left3A, %shift_left3A_12 : i32
    %scan3A = arith.constant 0 : i32
    %scan3A_14 = arith.constant 0 : i32
    %scan3A_15 = arith.constant 31 : i32
    %scan3A_16 = arith.addi %scan3A_14, %scan3A_15 : i32
    %scan3A_17 = arith.constant 1 : i32
    %scan3A_18:2 = scf.for %scan3A_41 = %scan3A_14 to %scan3A_16 step %scan3A_17 iter_args(%scan3A_42 = %scan3A, %scan3A_43 = %shift_left3A_13) -> (i32, i32)  : i32 {
      %or3A = arith.ori %scan3A_42, %scan3A_43 : i32
      %get3A_44 = arith.constant 0 : index
      %get3A_45 = arith.constant 0 : index
      %get3A_46 = vector.load %arg4[%get3A_44, %get3A_45] : memref<1024x1024xi32, #tpu.memory_space<vmem>>, vector<1024x1024xi32>
      %ge3A_47 = vector.broadcast %or3A : i32 to vector<1024x1024xi32>
      %ge3A_48 = arith.cmpi sge, %get3A_46, %ge3A_47 : vector<1024x1024xi32>
      %convert_element_type3A_49 = arith.extui %ge3A_48 : vector<1024x1024xi1> to vector<1024x1024xi32>
      %reduce_sum3A = vector.shape_cast %convert_element_type3A_49 : vector<1024x1024xi32> to vector<1x1024x1024xi32>
      %reduce_sum3A_50 = arith.constant dense<0> : vector<1xi32>
      %reduce_sum3A_51 = vector.multi_reduction <add>, %reduce_sum3A, %reduce_sum3A_50 [1, 2] : vector<1x1024x1024xi32> to vector<1xi32>
      %reduce_sum3A_52 = vector.shape_cast %reduce_sum3A_51 : vector<1xi32> to vector<1x1x1xi32>
      %reduce_sum3A_53 = vector.extract %reduce_sum3A_52[0, 0, 0] : i32 from vector<1x1x1xi32>
      %get3A_54 = arith.constant 0 : index
      %get3A_55 = arith.constant 0 : index
      %get3A_56 = vector.load %arg5[%get3A_54, %get3A_55] : memref<1024x1024xi32, #tpu.memory_space<vmem>>, vector<1024x1024xi32>
      %ge3A_57 = vector.broadcast %or3A : i32 to vector<1024x1024xi32>
      %ge3A_58 = arith.cmpi sge, %get3A_56, %ge3A_57 : vector<1024x1024xi32>
      %convert_element_type3A_59 = arith.extui %ge3A_58 : vector<1024x1024xi1> to vector<1024x1024xi32>
      %reduce_sum3A_60 = vector.shape_cast %convert_element_type3A_59 : vector<1024x1024xi32> to vector<1x1024x1024xi32>
      %reduce_sum3A_61 = arith.constant dense<0> : vector<1xi32>
      %reduce_sum3A_62 = vector.multi_reduction <add>, %reduce_sum3A_60, %reduce_sum3A_61 [1, 2] : vector<1x1024x1024xi32> to vector<1xi32>
      %reduce_sum3A_63 = vector.shape_cast %reduce_sum3A_62 : vector<1xi32> to vector<1x1x1xi32>
      %reduce_sum3A_64 = vector.extract %reduce_sum3A_63[0, 0, 0] : i32 from vector<1x1x1xi32>
      %add3A = arith.addi %reduce_sum3A_53, %reduce_sum3A_64 : i32
      %ge3A_65 = arith.constant 1048576 : i32
      %ge3A_66 = arith.cmpi sge, %add3A, %ge3A_65 : i32
      %select_n3A_67 = arith.select %ge3A_66, %or3A, %scan3A_42 : i32
      %shift_right_arithmetic3A = arith.constant 1 : i32
      %shift_right_arithmetic3A_68 = arith.shrsi %scan3A_43, %shift_right_arithmetic3A : i32
      scf.yield %select_n3A_67, %shift_right_arithmetic3A_68 : i32, i32
    }
    %bitcast_convert_type3A_19 = arith.bitcast %scan3A_18#0 : i32 to f32
    %get3A_20 = arith.constant 0 : index
    %get3A_21 = arith.constant 0 : index
    %get3A_22 = vector.load %arg0[%get3A_20, %get3A_21] : memref<1024x1024xf32, #tpu.memory_space<vmem>>, vector<1024x1024xf32>
    %get3A_23 = arith.constant 0 : index
    %get3A_24 = arith.constant 0 : index
    %get3A_25 = vector.load %arg1[%get3A_23, %get3A_24] : memref<1024x1024xf32, #tpu.memory_space<vmem>>, vector<1024x1024xf32>
    %abs3A_26 = math.absf %get3A_22 : vector<1024x1024xf32>
    %ge3A = vector.broadcast %bitcast_convert_type3A_19 : f32 to vector<1024x1024xf32>
    %ge3A_27 = arith.cmpf oge, %abs3A_26, %ge3A : vector<1024x1024xf32>
    %jit3A = arith.constant 0.000000e+00 : f32
    %broadcast_in_dim3A = vector.broadcast %jit3A : f32 to vector<1024x1024xf32>
    %select_n3A = arith.select %ge3A_27, %get3A_22, %broadcast_in_dim3A : vector<1024x1024xi1>, vector<1024x1024xf32>
    %convert_element_type3A = arith.truncf %select_n3A : vector<1024x1024xf32> to vector<1024x1024xbf16>
    %swap3A_28 = arith.constant 0 : index
    %swap3A_29 = arith.constant 0 : index
    %swap3A_30 = vector.load %arg2[%swap3A_28, %swap3A_29] : memref<1024x1024xbf16, #tpu.memory_space<vmem>>, vector<1024x1024xbf16>
    tpu.vector_store %arg2[%swap3A_28, %swap3A_29], %convert_element_type3A {strides = array<i32>} : memref<1024x1024xbf16, #tpu.memory_space<vmem>>, vector<1024x1024xbf16>,
    %abs3A_31 = math.absf %get3A_25 : vector<1024x1024xf32>
    %ge3A_32 = vector.broadcast %bitcast_convert_type3A_19 : f32 to vector<1024x1024xf32>
    %ge3A_33 = arith.cmpf oge, %abs3A_31, %ge3A_32 : vector<1024x1024xf32>
    %jit3A_34 = arith.constant 0.000000e+00 : f32
    %broadcast_in_dim3A_35 = vector.broadcast %jit3A_34 : f32 to vector<1024x1024xf32>
    %select_n3A_36 = arith.select %ge3A_33, %get3A_25, %broadcast_in_dim3A_35 : vector<1024x1024xi1>, vector<1024x1024xf32>
    %convert_element_type3A_37 = arith.truncf %select_n3A_36 : vector<1024x1024xf32> to vector<1024x1024xbf16>
    %swap3A_38 = arith.constant 0 : index
    %swap3A_39 = arith.constant 0 : index
    %swap3A_40 = vector.load %arg3[%swap3A_38, %swap3A_39] : memref<1024x1024xbf16, #tpu.memory_space<vmem>>, vector<1024x1024xbf16>
    tpu.vector_store %arg3[%swap3A_38, %swap3A_39], %convert_element_type3A_37 {strides = array<i32>} : memref<1024x1024xbf16, #tpu.memory_space<vmem>>, vector<1024x1024xbf16>,
    return
  }
}

module attributes {stable_mosaic.version = 14 : i64} {
  func.func @_fwd_body(%arg0: i32, %arg1: memref<1024x1024xf32, #tpu.memory_space<vmem>>, %arg2: memref<1024x1024xf32, #tpu.memory_space<vmem>>, %arg3: memref<1024x1024xbf16, #tpu.memory_space<vmem>>, %arg4: memref<1024x1024xbf16, #tpu.memory_space<vmem>>, %arg5: memref<4xi32, #tpu.memory_space<smem>>, %arg6: memref<256x4x1024xf32, #tpu.memory_space<vmem>>) attributes {dimension_semantics = [#tpu.dimension_semantics<arbitrary>], iteration_bounds = array<i64: 8>, scalar_prefetch = 0 : i64, scratch_operands = 0 : i64, tpu.core_type = #tpu.core_type<tc>, window_params = [{transform_indices = @transform_0, window_bounds = array<i64: 1024, 1024>}, {transform_indices = @transform_1, window_bounds = array<i64: 1024, 1024>}, {pipeline_mode = #tpu.pipeline_mode<synchronous>, transform_indices = @transform_2, window_bounds = array<i64: 1024, 1024>}, {pipeline_mode = #tpu.pipeline_mode<synchronous>, transform_indices = @transform_3, window_bounds = array<i64: 1024, 1024>}, {transform_indices = @transform_4, window_bounds = array<i64: 4>}, {transform_indices = @transform_5, window_bounds = array<i64: 256, 4, 1024>}]} {
    %get3A = arith.constant 0 : index
    %get3A_0 = arith.constant 0 : index
    %get3A_1 = vector.load %arg3[%get3A, %get3A_0] : memref<1024x1024xbf16, #tpu.memory_space<vmem>>, vector<1024x1024xbf16>
    %get3A_2 = arith.constant 0 : index
    %get3A_3 = arith.constant 0 : index
    %get3A_4 = vector.load %arg4[%get3A_2, %get3A_3] : memref<1024x1024xbf16, #tpu.memory_space<vmem>>, vector<1024x1024xbf16>
    %get3A_5 = arith.constant 0 : index
    %get3A_6 = arith.constant 0 : index
    %get3A_7 = vector.load %arg1[%get3A_5, %get3A_6] : memref<1024x1024xf32, #tpu.memory_space<vmem>>, vector<512x1024xf32>
    %convert_element_type3A = arith.truncf %get3A_7 : vector<512x1024xf32> to vector<512x1024xbf16>
    %dot_general3A = arith.constant dense<0.000000e+00> : vector<512x1024xf32>
    %dot_general3A_8 = tpu.matmul %convert_element_type3A, %get3A_1, %dot_general3A {dimension_numbers = #tpu.dot_dimension_numbers<[1], [0], [0], [1], [0, 0, 1, 1], [], []>, transpose_lhs_hint = false} : vector<512x1024xbf16>, vector<1024x1024xbf16>, vector<512x1024xf32> -> vector<512x1024xf32>
    %tanh3A = math.tanh %dot_general3A_8 : vector<512x1024xf32>
    %mul3A = arith.constant 1024 : i32
    %mul3A_9 = arith.muli %arg0, %mul3A : i32
    %add3A = arith.constant 0 : i32
    %add3A_10 = arith.addi %mul3A_9, %add3A : i32
    %iota3A = tpu.iota {dimensions = array<i32: 0>} : vector<512x1xi32>
    %add3A_11 = vector.broadcast %add3A_10 : i32 to vector<512x1xi32>
    %add3A_12 = arith.addi %add3A_11, %iota3A : vector<512x1xi32>
    %jit3A = arith.constant 4 : i32
    %div3A = vector.broadcast %jit3A : i32 to vector<512x1xi32>
    %div3A_13 = arith.divsi %add3A_12, %div3A : vector<512x1xi32>
    %sign3A = arith.constant 0 : i32
    %sign3A_14 = vector.broadcast %sign3A : i32 to vector<512x1xi32>
    %sign3A_15 = arith.cmpi sgt, %add3A_12, %sign3A_14 : vector<512x1xi32>
    %sign3A_16 = arith.extui %sign3A_15 : vector<512x1xi1> to vector<512x1xi32>
    %sign3A_17 = arith.constant 0 : i32
    %sign3A_18 = vector.broadcast %sign3A_17 : i32 to vector<512x1xi32>
    %sign3A_19 = arith.cmpi slt, %add3A_12, %sign3A_18 : vector<512x1xi32>
    %sign3A_20 = arith.extui %sign3A_19 : vector<512x1xi1> to vector<512x1xi32>
    %sign3A_21 = arith.subi %sign3A_16, %sign3A_20 : vector<512x1xi32>
    %sign3A_22 = arith.constant 0 : i32
    %sign3A_23 = arith.cmpi sgt, %jit3A, %sign3A_22 : i32
    %sign3A_24 = arith.extui %sign3A_23 : i1 to i32
    %sign3A_25 = arith.constant 0 : i32
    %sign3A_26 = arith.cmpi slt, %jit3A, %sign3A_25 : i32
    %sign3A_27 = arith.extui %sign3A_26 : i1 to i32
    %sign3A_28 = arith.subi %sign3A_24, %sign3A_27 : i32
    %ne3A = vector.broadcast %sign3A_28 : i32 to vector<512x1xi32>
    %ne3A_29 = arith.cmpi ne, %sign3A_21, %ne3A : vector<512x1xi32>
    %rem3A = vector.broadcast %jit3A : i32 to vector<512x1xi32>
    %rem3A_30 = arith.remsi %add3A_12, %rem3A : vector<512x1xi32>
    %ne3A_31 = arith.constant 0 : i32
    %ne3A_32 = vector.broadcast %ne3A_31 : i32 to vector<512x1xi32>
    %ne3A_33 = arith.cmpi ne, %rem3A_30, %ne3A_32 : vector<512x1xi32>
    %and3A = arith.andi %ne3A_29, %ne3A_33 : vector<512x1xi1>
    %sub3A = arith.constant 1 : i32
    %sub3A_34 = vector.broadcast %sub3A : i32 to vector<512x1xi32>
    %sub3A_35 = arith.subi %div3A_13, %sub3A_34 : vector<512x1xi32>
    %select_n3A = arith.select %and3A, %sub3A_35, %div3A_13 : vector<512x1xi1>, vector<512x1xi32>
    %jit3A_36 = arith.constant 4 : i32
    %eq3A = arith.constant 0 : i32
    %eq3A_37 = arith.cmpi eq, %jit3A_36, %eq3A : i32
    %jit3A_38 = arith.constant 1 : i32
    %select_n3A_39 = arith.select %eq3A_37, %jit3A_38, %jit3A_36 : i32
    %rem3A_40 = vector.broadcast %select_n3A_39 : i32 to vector<512x1xi32>
    %rem3A_41 = arith.remsi %add3A_12, %rem3A_40 : vector<512x1xi32>
    %ne3A_42 = arith.constant 0 : i32
    %ne3A_43 = vector.broadcast %ne3A_42 : i32 to vector<512x1xi32>
    %ne3A_44 = arith.cmpi ne, %rem3A_41, %ne3A_43 : vector<512x1xi32>
    %lt3A = arith.constant 0 : i32
    %lt3A_45 = vector.broadcast %lt3A : i32 to vector<512x1xi32>
    %lt3A_46 = arith.cmpi slt, %rem3A_41, %lt3A_45 : vector<512x1xi32>
    %lt3A_47 = arith.constant 0 : i32
    %lt3A_48 = arith.cmpi slt, %select_n3A_39, %lt3A_47 : i32
    %ne3A_49 = vector.broadcast %lt3A_48 : i1 to vector<512x1xi1>
    %ne3A_50 = vector.broadcast %ne3A_49 : vector<512x1xi1> to vector<512x1xi1>
    %ne3A_51 = arith.xori %lt3A_46, %ne3A_50 : vector<512x1xi1>
    %and3A_52 = arith.andi %ne3A_51, %ne3A_44 : vector<512x1xi1>
    %add3A_53 = vector.broadcast %select_n3A_39 : i32 to vector<512x1xi32>
    %add3A_54 = arith.addi %rem3A_41, %add3A_53 : vector<512x1xi32>
    %select_n3A_55 = arith.select %and3A_52, %add3A_54, %rem3A_41 : vector<512x1xi1>, vector<512x1xi32>
    %get3A_56 = arith.constant 0 : index
    %get3A_57 = memref.load %arg5[%get3A_56] : memref<4xi32, #tpu.memory_space<smem>>
    %broadcast_in_dim3A = vector.broadcast %get3A_57 : i32 to vector<512x1xi32>
    %eq3A_58 = arith.constant 1 : i32
    %eq3A_59 = vector.broadcast %eq3A_58 : i32 to vector<512x1xi32>
    %eq3A_60 = arith.cmpi eq, %select_n3A_55, %eq3A_59 : vector<512x1xi32>
    %get3A_61 = arith.constant 1 : index
    %get3A_62 = memref.load %arg5[%get3A_61] : memref<4xi32, #tpu.memory_space<smem>>
    %broadcast_in_dim3A_63 = vector.broadcast %get3A_62 : i32 to vector<512x1xi32>
    %select_n3A_64 = arith.select %eq3A_60, %broadcast_in_dim3A_63, %broadcast_in_dim3A : vector<512x1xi1>, vector<512x1xi32>
    %eq3A_65 = arith.constant 2 : i32
    %eq3A_66 = vector.broadcast %eq3A_65 : i32 to vector<512x1xi32>
    %eq3A_67 = arith.cmpi eq, %select_n3A_55, %eq3A_66 : vector<512x1xi32>
    %get3A_68 = arith.constant 2 : index
    %get3A_69 = memref.load %arg5[%get3A_68] : memref<4xi32, #tpu.memory_space<smem>>
    %broadcast_in_dim3A_70 = vector.broadcast %get3A_69 : i32 to vector<512x1xi32>
    %select_n3A_71 = arith.select %eq3A_67, %broadcast_in_dim3A_70, %select_n3A_64 : vector<512x1xi1>, vector<512x1xi32>
    %eq3A_72 = arith.constant 3 : i32
    %eq3A_73 = vector.broadcast %eq3A_72 : i32 to vector<512x1xi32>
    %eq3A_74 = arith.cmpi eq, %select_n3A_55, %eq3A_73 : vector<512x1xi32>
    %get3A_75 = arith.constant 3 : index
    %get3A_76 = memref.load %arg5[%get3A_75] : memref<4xi32, #tpu.memory_space<smem>>
    %broadcast_in_dim3A_77 = vector.broadcast %get3A_76 : i32 to vector<512x1xi32>
    %select_n3A_78 = arith.select %eq3A_74, %broadcast_in_dim3A_77, %select_n3A_71 : vector<512x1xi1>, vector<512x1xi32>
    %lt3A_79 = arith.cmpi slt, %select_n3A, %select_n3A_78 : vector<512x1xi32>
    %convert_element_type3A_80 = arith.extui %lt3A_79 : vector<512x1xi1> to vector<512x1xi32>
    %convert_element_type3A_81 = arith.sitofp %convert_element_type3A_80 : vector<512x1xi32> to vector<512x1xf32>
    %mul3A_82 = vector.broadcast %convert_element_type3A_81 : vector<512x1xf32> to vector<512x1024xf32>
    %mul3A_83 = arith.mulf %tanh3A, %mul3A_82 : vector<512x1024xf32>
    %get3A_84 = arith.constant 0 : index
    %get3A_85 = arith.constant 0 : index
    %get3A_86 = vector.load %arg2[%get3A_84, %get3A_85] : memref<1024x1024xf32, #tpu.memory_space<vmem>>, vector<512x1024xf32>
    %add3A_87 = arith.addf %mul3A_83, %get3A_86 : vector<512x1024xf32>
    %convert_element_type3A_88 = arith.truncf %add3A_87 : vector<512x1024xf32> to vector<512x1024xbf16>
    %dot_general3A_89 = arith.constant dense<0.000000e+00> : vector<512x1024xf32>
    %dot_general3A_90 = tpu.matmul %convert_element_type3A_88, %get3A_4, %dot_general3A_89 {dimension_numbers = #tpu.dot_dimension_numbers<[1], [0], [0], [1], [0, 0, 1, 1], [], []>, transpose_lhs_hint = false} : vector<512x1024xbf16>, vector<1024x1024xbf16>, vector<512x1024xf32> -> vector<512x1024xf32>
    %reshape3A = vector.shape_cast %dot_general3A_90 : vector<512x1024xf32> to vector<128x4x1024xf32>
    %swap3A = arith.constant 0 : index
    %swap3A_91 = arith.constant 0 : index
    %swap3A_92 = arith.constant 0 : index
    %swap3A_93 = vector.load %arg6[%swap3A, %swap3A_91, %swap3A_92] : memref<256x4x1024xf32, #tpu.memory_space<vmem>>, vector<128x4x1024xf32>
    tpu.vector_store %arg6[%swap3A, %swap3A_91, %swap3A_92], %reshape3A {strides = array<i32>} : memref<256x4x1024xf32, #tpu.memory_space<vmem>>, vector<128x4x1024xf32>,
    %get3A_94 = arith.constant 512 : index
    %get3A_95 = arith.constant 0 : index
    %get3A_96 = vector.load %arg1[%get3A_94, %get3A_95] : memref<1024x1024xf32, #tpu.memory_space<vmem>>, vector<512x1024xf32>
    %convert_element_type3A_97 = arith.truncf %get3A_96 : vector<512x1024xf32> to vector<512x1024xbf16>
    %dot_general3A_98 = arith.constant dense<0.000000e+00> : vector<512x1024xf32>
    %dot_general3A_99 = tpu.matmul %convert_element_type3A_97, %get3A_1, %dot_general3A_98 {dimension_numbers = #tpu.dot_dimension_numbers<[1], [0], [0], [1], [0, 0, 1, 1], [], []>, transpose_lhs_hint = false} : vector<512x1024xbf16>, vector<1024x1024xbf16>, vector<512x1024xf32> -> vector<512x1024xf32>
    %tanh3A_100 = math.tanh %dot_general3A_99 : vector<512x1024xf32>
    %mul3A_101 = arith.constant 1024 : i32
    %mul3A_102 = arith.muli %arg0, %mul3A_101 : i32
    %add3A_103 = arith.constant 512 : i32
    %add3A_104 = arith.addi %mul3A_102, %add3A_103 : i32
    %iota3A_105 = tpu.iota {dimensions = array<i32: 0>} : vector<512x1xi32>
    %add3A_106 = vector.broadcast %add3A_104 : i32 to vector<512x1xi32>
    %add3A_107 = arith.addi %add3A_106, %iota3A_105 : vector<512x1xi32>
    %jit3A_108 = arith.constant 4 : i32
    %div3A_109 = vector.broadcast %jit3A_108 : i32 to vector<512x1xi32>
    %div3A_110 = arith.divsi %add3A_107, %div3A_109 : vector<512x1xi32>
    %sign3A_111 = arith.constant 0 : i32
    %sign3A_112 = vector.broadcast %sign3A_111 : i32 to vector<512x1xi32>
    %sign3A_113 = arith.cmpi sgt, %add3A_107, %sign3A_112 : vector<512x1xi32>
    %sign3A_114 = arith.extui %sign3A_113 : vector<512x1xi1> to vector<512x1xi32>
    %sign3A_115 = arith.constant 0 : i32
    %sign3A_116 = vector.broadcast %sign3A_115 : i32 to vector<512x1xi32>
    %sign3A_117 = arith.cmpi slt, %add3A_107, %sign3A_116 : vector<512x1xi32>
    %sign3A_118 = arith.extui %sign3A_117 : vector<512x1xi1> to vector<512x1xi32>
    %sign3A_119 = arith.subi %sign3A_114, %sign3A_118 : vector<512x1xi32>
    %sign3A_120 = arith.constant 0 : i32
    %sign3A_121 = arith.cmpi sgt, %jit3A_108, %sign3A_120 : i32
    %sign3A_122 = arith.extui %sign3A_121 : i1 to i32
    %sign3A_123 = arith.constant 0 : i32
    %sign3A_124 = arith.cmpi slt, %jit3A_108, %sign3A_123 : i32
    %sign3A_125 = arith.extui %sign3A_124 : i1 to i32
    %sign3A_126 = arith.subi %sign3A_122, %sign3A_125 : i32
    %ne3A_127 = vector.broadcast %sign3A_126 : i32 to vector<512x1xi32>
    %ne3A_128 = arith.cmpi ne, %sign3A_119, %ne3A_127 : vector<512x1xi32>
    %rem3A_129 = vector.broadcast %jit3A_108 : i32 to vector<512x1xi32>
    %rem3A_130 = arith.remsi %add3A_107, %rem3A_129 : vector<512x1xi32>
    %ne3A_131 = arith.constant 0 : i32
    %ne3A_132 = vector.broadcast %ne3A_131 : i32 to vector<512x1xi32>
    %ne3A_133 = arith.cmpi ne, %rem3A_130, %ne3A_132 : vector<512x1xi32>
    %and3A_134 = arith.andi %ne3A_128, %ne3A_133 : vector<512x1xi1>
    %sub3A_135 = arith.constant 1 : i32
    %sub3A_136 = vector.broadcast %sub3A_135 : i32 to vector<512x1xi32>
    %sub3A_137 = arith.subi %div3A_110, %sub3A_136 : vector<512x1xi32>
    %select_n3A_138 = arith.select %and3A_134, %sub3A_137, %div3A_110 : vector<512x1xi1>, vector<512x1xi32>
    %jit3A_139 = arith.constant 4 : i32
    %eq3A_140 = arith.constant 0 : i32
    %eq3A_141 = arith.cmpi eq, %jit3A_139, %eq3A_140 : i32
    %jit3A_142 = arith.constant 1 : i32
    %select_n3A_143 = arith.select %eq3A_141, %jit3A_142, %jit3A_139 : i32
    %rem3A_144 = vector.broadcast %select_n3A_143 : i32 to vector<512x1xi32>
    %rem3A_145 = arith.remsi %add3A_107, %rem3A_144 : vector<512x1xi32>
    %ne3A_146 = arith.constant 0 : i32
    %ne3A_147 = vector.broadcast %ne3A_146 : i32 to vector<512x1xi32>
    %ne3A_148 = arith.cmpi ne, %rem3A_145, %ne3A_147 : vector<512x1xi32>
    %lt3A_149 = arith.constant 0 : i32
    %lt3A_150 = vector.broadcast %lt3A_149 : i32 to vector<512x1xi32>
    %lt3A_151 = arith.cmpi slt, %rem3A_145, %lt3A_150 : vector<512x1xi32>
    %lt3A_152 = arith.constant 0 : i32
    %lt3A_153 = arith.cmpi slt, %select_n3A_143, %lt3A_152 : i32
    %ne3A_154 = vector.broadcast %lt3A_153 : i1 to vector<512x1xi1>
    %ne3A_155 = vector.broadcast %ne3A_154 : vector<512x1xi1> to vector<512x1xi1>
    %ne3A_156 = arith.xori %lt3A_151, %ne3A_155 : vector<512x1xi1>
    %and3A_157 = arith.andi %ne3A_156, %ne3A_148 : vector<512x1xi1>
    %add3A_158 = vector.broadcast %select_n3A_143 : i32 to vector<512x1xi32>
    %add3A_159 = arith.addi %rem3A_145, %add3A_158 : vector<512x1xi32>
    %select_n3A_160 = arith.select %and3A_157, %add3A_159, %rem3A_145 : vector<512x1xi1>, vector<512x1xi32>
    %get3A_161 = arith.constant 0 : index
    %get3A_162 = memref.load %arg5[%get3A_161] : memref<4xi32, #tpu.memory_space<smem>>
    %broadcast_in_dim3A_163 = vector.broadcast %get3A_162 : i32 to vector<512x1xi32>
    %eq3A_164 = arith.constant 1 : i32
    %eq3A_165 = vector.broadcast %eq3A_164 : i32 to vector<512x1xi32>
    %eq3A_166 = arith.cmpi eq, %select_n3A_160, %eq3A_165 : vector<512x1xi32>
    %get3A_167 = arith.constant 1 : index
    %get3A_168 = memref.load %arg5[%get3A_167] : memref<4xi32, #tpu.memory_space<smem>>
    %broadcast_in_dim3A_169 = vector.broadcast %get3A_168 : i32 to vector<512x1xi32>
    %select_n3A_170 = arith.select %eq3A_166, %broadcast_in_dim3A_169, %broadcast_in_dim3A_163 : vector<512x1xi1>, vector<512x1xi32>
    %eq3A_171 = arith.constant 2 : i32
    %eq3A_172 = vector.broadcast %eq3A_171 : i32 to vector<512x1xi32>
    %eq3A_173 = arith.cmpi eq, %select_n3A_160, %eq3A_172 : vector<512x1xi32>
    %get3A_174 = arith.constant 2 : index
    %get3A_175 = memref.load %arg5[%get3A_174] : memref<4xi32, #tpu.memory_space<smem>>
    %broadcast_in_dim3A_176 = vector.broadcast %get3A_175 : i32 to vector<512x1xi32>
    %select_n3A_177 = arith.select %eq3A_173, %broadcast_in_dim3A_176, %select_n3A_170 : vector<512x1xi1>, vector<512x1xi32>
    %eq3A_178 = arith.constant 3 : i32
    %eq3A_179 = vector.broadcast %eq3A_178 : i32 to vector<512x1xi32>
    %eq3A_180 = arith.cmpi eq, %select_n3A_160, %eq3A_179 : vector<512x1xi32>
    %get3A_181 = arith.constant 3 : index
    %get3A_182 = memref.load %arg5[%get3A_181] : memref<4xi32, #tpu.memory_space<smem>>
    %broadcast_in_dim3A_183 = vector.broadcast %get3A_182 : i32 to vector<512x1xi32>
    %select_n3A_184 = arith.select %eq3A_180, %broadcast_in_dim3A_183, %select_n3A_177 : vector<512x1xi1>, vector<512x1xi32>
    %lt3A_185 = arith.cmpi slt, %select_n3A_138, %select_n3A_184 : vector<512x1xi32>
    %convert_element_type3A_186 = arith.extui %lt3A_185 : vector<512x1xi1> to vector<512x1xi32>
    %convert_element_type3A_187 = arith.sitofp %convert_element_type3A_186 : vector<512x1xi32> to vector<512x1xf32>
    %mul3A_188 = vector.broadcast %convert_element_type3A_187 : vector<512x1xf32> to vector<512x1024xf32>
    %mul3A_189 = arith.mulf %tanh3A_100, %mul3A_188 : vector<512x1024xf32>
    %get3A_190 = arith.constant 512 : index
    %get3A_191 = arith.constant 0 : index
    %get3A_192 = vector.load %arg2[%get3A_190, %get3A_191] : memref<1024x1024xf32, #tpu.memory_space<vmem>>, vector<512x1024xf32>
    %add3A_193 = arith.addf %mul3A_189, %get3A_192 : vector<512x1024xf32>
    %convert_element_type3A_194 = arith.truncf %add3A_193 : vector<512x1024xf32> to vector<512x1024xbf16>
    %dot_general3A_195 = arith.constant dense<0.000000e+00> : vector<512x1024xf32>
    %dot_general3A_196 = tpu.matmul %convert_element_type3A_194, %get3A_4, %dot_general3A_195 {dimension_numbers = #tpu.dot_dimension_numbers<[1], [0], [0], [1], [0, 0, 1, 1], [], []>, transpose_lhs_hint = false} : vector<512x1024xbf16>, vector<1024x1024xbf16>, vector<512x1024xf32> -> vector<512x1024xf32>
    %reshape3A_197 = vector.shape_cast %dot_general3A_196 : vector<512x1024xf32> to vector<128x4x1024xf32>
    %swap3A_198 = arith.constant 128 : index
    %swap3A_199 = arith.constant 0 : index
    %swap3A_200 = arith.constant 0 : index
    %swap3A_201 = vector.load %arg6[%swap3A_198, %swap3A_199, %swap3A_200] : memref<256x4x1024xf32, #tpu.memory_space<vmem>>, vector<128x4x1024xf32>
    tpu.vector_store %arg6[%swap3A_198, %swap3A_199, %swap3A_200], %reshape3A_197 {strides = array<i32>} : memref<256x4x1024xf32, #tpu.memory_space<vmem>>, vector<128x4x1024xf32>,
    return
  }
  func.func @transform_0(%arg0: i32) -> (i32, i32) {
    %c0_i32 = arith.constant 0 : i32
    %c0_i32_0 = arith.constant 0 : i32
    return %arg0, %c0_i32 : i32, i32
  }
  func.func @transform_1(%arg0: i32) -> (i32, i32) {
    %add3A = arith.constant 8 : i32
    %add3A_0 = arith.addi %arg0, %add3A : i32
    %c0_i32 = arith.constant 0 : i32
    %c0_i32_1 = arith.constant 0 : i32
    return %add3A_0, %c0_i32 : i32, i32
  }
  func.func @transform_2(%arg0: i32) -> (i32, i32) {
    %c0_i32 = arith.constant 0 : i32
    %c0_i32_0 = arith.constant 0 : i32
    %c0_i32_1 = arith.constant 0 : i32
    return %c0_i32, %c0_i32_0 : i32, i32
  }
  func.func @transform_3(%arg0: i32) -> (i32, i32) {
    %c0_i32 = arith.constant 0 : i32
    %c0_i32_0 = arith.constant 0 : i32
    %c0_i32_1 = arith.constant 0 : i32
    return %c0_i32, %c0_i32_0 : i32, i32
  }
  func.func @transform_4(%arg0: i32) -> i32 {
    %c0_i32 = arith.constant 0 : i32
    %c0_i32_0 = arith.constant 0 : i32
    return %c0_i32 : i32
  }
  func.func @transform_5(%arg0: i32) -> (i32, i32, i32) {
    %c0_i32 = arith.constant 0 : i32
    %c0_i32_0 = arith.constant 0 : i32
    %c0_i32_1 = arith.constant 0 : i32
    return %arg0, %c0_i32, %c0_i32_0 : i32, i32, i32
  }
}

</mosaic_0001>

<sc_bundles>
// kernel: kernel.5.cloned.1.call-start
scs
__scs_entry_jumppad:
0x0: {  	(pc) =	sbr.rel $0x88, $3  }
0x1: {  	(tag) =	ssettag $0x0;
	lr =	simm.s32 $0x1  }
0x2: {  	[smem:$0x3F9B] =	sst lr;
	_ =	strace $0xD0000000  }
0x3: {  	_ = 	snop  }
0x4: {  	_ = 	snop  }
0x5: {  	_ = 	snop  }
0x6: {  	_ = 	snop  }
0x7: {  	_ = 	snop  }
__scs_overlays_trampoline_lowered:
0x8: {  	[smem:$0x3FAA] =	sst s0  }
0x9: {  	[smem:$0x3FAB] =	sst s1  }
0xa: {  	[smem:$0x3FAC] =	sst s2  }
0xb: {  	[smem:$0x3FAD] =	sst s3  }
0xc: {  	[smem:$0x3FAE] =	sst s4  }
0xd: {  	[smem:$0x3FAF] =	sst s5  }
0xe: {  	[smem:$0x3FB0] =	sst s6  }
0xf: {  	[smem:$0x3FB1] =	sst s7  }
0x10: {  	[smem:$0x3FB2] =	sst s8  }
0x11: {  	[smem:$0x3FB3] =	sst s9;
	s0 =	simm.s32 @!p0 $0x0  }
0x12: {  	s1 =	sld [smem:$0x3F99];
	s0 =	simm.s32 @p0 $0x1  }
0x13: {  	[smem:$0x3FB4] =	sst s0;
	s0 =	simm.s32 @!p1 $0x0  }
0x14: {  	s2 =	sld [smem:$0x3F98];
	s0 =	simm.s32 @p1 $0x1  }
0x15: {  	[smem:$0x3FB5] =	sst s0;
	s0 =	simm.s32 @!p2 $0x0  }
0x16: {  	s3 =	sld [smem:$0x3FDB];
	s0 =	simm.s32 @p2 $0x1  }
0x17: {  	s4 =	simm.s32 $0x1BF5;
	[smem:$0x3FB7] =	sst s0  }
0x18: {  	s0 =	sld [smem:$0x3F9A];
	_ =	swait.ge [sflag:s4], $0x0  }
0x19: {  	s7 =	sld [smem:$0x3F9B]  }
0x1a: {  	s8 =	sadd.s32 $0xFFFFE003, lr  }
0x1b: {  	s9 =	sadd.s32 $0xFFFFFEF7, lr;
	s5 =	simm.s32 $0xFFFFFFFF;
	p2 =	slt.u32 s8, $0xFFFFF086  }
0x1c: {  	p1 =	slt.u32 s9, $0xF7A;
	s5 =	simm.s32 @!p2 $0x0  }
0x1d: {  	s5 =	simm.s32 @p1 $0x1;
	p0 =	seq.s32 s7, s2  }
0x1e: {  	s7 =	smul.u32 @!p0 $0xF7A, s2;
	p2 =	seq.s32 @!p0 s5, $0x0  }
0x1f: {  	s9 =	smul.u32 $0xF7A, s1;
	s8 =	simm.s32 @!p0 $0x1BF5;
	p2 =	por !p2, p0  }
0x20: {  	[sflag:s8] =	ssyncset.s32 @!p0 $0xFFFFF086;
	s6 =	sadd.s32 @!p0 s3, s7;
	s7 =	simm.s32 @!p0 $0x108  }
0x21: {  	s3 =	sadd.s32 s3, s9;
	s6 =	sadd.s32 @!p0 $0x88, s6;
	s7 =	simm.s32 @p2 $0x1082  }
0x22: {  	[simem:s7], [sflag:s8] =	dma.local @!p0 [hbm:s6], $0xF7A  }
0x23: {  	s9 =	sor.u32 $0xD0000000, s2;
	s6 =	simm.s32 $0x108;
	_ =	swait.ge @!p0 [sflag:s8], $0x0  }
0x24: {  	s3 =	sadd.s32 $0x88, s3;
	s6 =	simm.s32 @!p1 $0x1082;
	[sflag:s4] =	ssyncset.s32 $0xFFFFF086  }
0x25: {  	[simem:s6], [sflag:s4] =	dma.local [hbm:s3], $0xF7A  }
0x26: {  	[smem:$0x3F9B] =	sst s1;
	(tag) =	ssettag s2;
	_ =	strace s9  }
0x27: {  	s1 =	sld [smem:$0x3FAB]  }
0x28: {  	s2 =	sld [smem:$0x3FAC]  }
0x29: {  	s4 =	sld [smem:$0x3FAE]  }
0x2a: {  	p0 =	seq.s32 s5, $0x0;
	s5 =	sld [smem:$0x3FAF]  }
0x2b: {  	s6 =	sld [smem:$0x3FB0]  }
0x2c: {  	s7 =	sld [smem:$0x3FB1]  }
0x2d: {  	s3 =	simm.s32 $0x108;
	s8 =	sld [smem:$0x3FB2]  }
0x2e: {  	s3 =	simm.s32 @!p0 $0x1082;
	s9 =	sld [smem:$0x3FB3]  }
0x2f: {  	lr =	sadd.s32 s0, s3;
	s0 =	sld [smem:$0x3FAA]  }
0x30: {  	s3 =	sld [smem:$0x3FAD]  }
0x31: {  	[smem:$0x3FB6] =	sst s10  }
0x32: {  	s10 =	sld [smem:$0x3FB4];
	_ =	sdelay $0x3  }
0x33: {  	p0 =	seq.s32 s10, $0x1;
	s10 =	sld [smem:$0x3FB6];
	_ =	sdelay $0x3  }
0x34: {  	[smem:$0x3FB6] =	sst s10  }
0x35: {  	s10 =	sld [smem:$0x3FB5];
	_ =	sdelay $0x3  }
0x36: {  	p1 =	seq.s32 s10, $0x1;
	s10 =	sld [smem:$0x3FB6];
	_ =	sdelay $0x3  }
0x37: {  	[smem:$0x3FB6] =	sst s10  }
0x38: {  	s10 =	sld [smem:$0x3FB7]  }
0x39: {  	_ = 	snop;
	(pc) =	sbr.ind lr, $3  }
0x3a: {  	_ = 	snop  }
0x3b: {  	_ = 	snop  }
0x3c: {  	p2 =	seq.s32 s10, $0x1;
	s10 =	sld [smem:$0x3FB6]  }
0x3d: {  	_ =	shalt  }
0x3e: {  	_ =	shalt  }
0x3f: {  	_ =	shalt  }
0x40: {  	_ =	shalt  }
0x41: {  	_ =	shalt  }
0x42: {  	_ =	shalt  }
0x43: {  	_ =	shalt  }
0x44: {  	_ =	shalt  }
0x45: {  	_ =	shalt  }
0x46: {  	_ =	shalt  }
0x47: {  	_ =	shalt  }
0x48: {  	_ =	shalt  }
0x49: {  	_ =	shalt  }
0x4a: {  	_ =	shalt  }
0x4b: {  	_ =	shalt  }
0x4c: {  	_ =	shalt  }
0x4d: {  	_ =	shalt  }
0x4e: {  	_ =	shalt  }
0x4f: {  	_ =	shalt  }
0x50: {  	_ =	shalt  }
0x51: {  	_ =	shalt  }
0x52: {  	_ =	shalt  }
0x53: {  	_ =	shalt  }
0x54: {  	_ =	shalt  }
0x55: {  	_ =	shalt  }
0x56: {  	_ =	shalt  }
0x57: {  	_ =	shalt  }
0x58: {  	_ =	shalt  }
0x59: {  	_ =	shalt  }
0x5a: {  	_ =	shalt  }
0x5b: {  	_ =	shalt  }
0x5c: {  	_ =	shalt  }
0x5d: {  	_ =	shalt  }
0x5e: {  	_ =	shalt  }
0x5f: {  	_ =	shalt  }
0x60: {  	_ =	shalt  }
0x61: {  	_ =	shalt  }
0x62: {  	_ =	shalt  }
0x63: {  	_ =	shalt  }
0x64: {  	_ =	shalt  }
0x65: {  	_ =	shalt  }
0x66: {  	_ =	shalt  }
0x67: {  	_ =	shalt  }
0x68: {  	_ =	shalt  }
0x69: {  	_ =	shalt  }
0x6a: {  	_ =	shalt  }
0x6b: {  	_ =	shalt  }
0x6c: {  	_ =	shalt  }
0x6d: {  	_ =	shalt  }
0x6e: {  	_ =	shalt  }
0x6f: {  	_ =	shalt  }
0x70: {  	_ =	shalt  }
0x71: {  	_ =	shalt  }
0x72: {  	_ =	shalt  }
0x73: {  	_ =	shalt  }
0x74: {  	_ =	shalt  }
0x75: {  	_ =	shalt  }
0x76: {  	_ =	shalt  }
0x77: {  	_ =	shalt  }
0x78: {  	_ =	shalt  }
0x79: {  	_ =	shalt  }
0x7a: {  	_ =	shalt  }
0x7b: {  	_ =	shalt  }
0x7c: {  	_ =	shalt  }
0x7d: {  	_ =	shalt  }
0x7e: {  	_ =	shalt  }
0x7f: {  	_ =	shalt  }
0x80: {  	_ =	shalt  }
0x81: {  	_ =	shalt  }
0x82: {  	_ =	shalt  }
0x83: {  	_ =	shalt  }
0x84: {  	_ =	shalt  }
0x85: {  	_ =	shalt  }
0x86: {  	_ =	shalt  }
0x87: {  	_ =	shalt  }
.Lfunc_end0:
.L_simem_size_0:
called_computation_lowered:
.L_overlay_start_0:
0x88: {  	s2 =	sld [smem:$0x3FD9]  }
0x89: {  	s3 =	sld [smem:$0x3FFE];
	_ =	sdelay $0x1  }
0x8a: {  	s1 =	srdreg.scid  }
0x8b: {  	s0 =	sand.u32 $0x1, s1  }
0x8c: {  	s17 =	sshll.u32 s0, $0xA;
	s2 =	sadd.s32 s3, s2  }
0x8d: {  	s2 =	sadd.s32 s2, s17  }
0x8e: {  	[smem:$0x3FC2] =	sst s2  }
0x8f: {  	_ = 	snop  }
0x90: {  	s2 =	sld [smem:$0x3FC6]  }
0x91: {  	s18 =	sld [smem:$0x3FD0];
	(tm) =	ssettm $0x1  }
0x92: {  	s4 =	sld [smem:$0x3FFB];
	_ =	sdelay $0x3  }
0x93: {  	_ =	strace s4  }
0x94: {  	s4 =	sld [smem:$0x3FFC];
	_ =	sdelay $0x3  }
0x95: {  	_ =	strace s4  }
0x96: {  	s4 =	sld [smem:$0x3FFD];
	_ =	sdelay $0x3  }
0x97: {  	_ =	strace s4  }
0x98: {  	_ =	strace $0x8FFFFFFF  }
0x99: {  	s19 =	sld [smem:$0x3FDB];
	_ =	sdelay $0x1  }
0x9a: {  	s5 =	simm.s32 $_scs_section_size  }
0x9b: {  	s6 =	simm.s32 $_size__tile_overlayer_lowered;
	s7 =	simm.s32 $_tile_overlayer_lowered  }
0x9c: {  	s22 =	simm.s32 $0x1BFF;
	s21 =	sshll.u32 s7, $0x1;
	s4 =	sadd.s32 s5, s19  }
0x9d: {  	s8 =	simm.s32 $0x0;
	s20 =	sshll.u32 s6, $0x1;
	s6 =	sadd.s32 s21, s4  }
0x9e: {  	[timem:s8], [sflag:s22] =	dma.local [hbm:s6], s20  }
0x9f: {  	_ =	swait.ge [sflag:s22], s20  }
0xa0: {  	s5 =	ssub.s32 $0x0, s20;
	[sflag:s22] =	ssyncset.done $0x0  }
0xa1: {  	[sflag:s22] =	ssyncadd.s32 s5;
	_ =	sdelay $0x1  }
0xa2: {  	s23 =	simm.s32 $0x1B8B  }
0xa3: {  	_ =	swait.ge [sflag:s23], $0x1  }
0xa4: {  	[sflag:s23] =	ssyncset.done $0x0  }
0xa5: {  	s25 =	simm.s32 $0x1B8E;
	s24 =	sld [smem:$0x3FFE];
	[sflag:s23] =	ssyncadd.s32 $0xFFFFFFFF  }
0xa6: {  	s26 =	simm.s32 $execute0_lowered;
	[smem:$0x3FD2] =	sst s25  }
0xa7: {  	s6 =	sshll.u32 s26, $0x1;
	_ =	strace $0x80000046;
	[dreg:$0x1] =	wrdreg $0xFFFFFFFF  }
0xa8: {  	s28 =	simm.s32 $_size_execute0_lowered;
	s4 =	sadd.s32 s4, s6;
	[dreg:$0x0] =	wrdreg $0x0  }
0xa9: {  	s6 =	sshll.u32 s28, $0x1;
	[dreg:$0x2] =	wrdreg s4  }
0xaa: {  	[dreg:$0x3] =	wrdreg s6  }
0xab: {  	[dreg:$0x4] =	wrdreg $0xC0  }
0xac: {  	_ =	task [dreg:s8], $0x5FFFF  }
0xad: {  	[dreg:$0x1] =	wrdreg $0xFFFFFFFF  }
0xae: {  	[dreg:$0x0] =	wrdreg $0x60  }
0xaf: {  	[dreg:$0x2] =	wrdreg s2  }
0xb0: {  	[dreg:$0x3] =	wrdreg s18  }
0xb1: {  	[dreg:$0x4] =	wrdreg s24  }
0xb2: {  	[dreg:$0x5] =	wrdreg $0x9  }
0xb3: {  	_ =	task.clear_ibuf [dreg:s8], $0x6FFFF;
	_ =	strace $0x90000046  }
0xb4: {  	s29 =	simm.s32 $0x9;
	_ =	strace $0x80000048  }
0xb5: {  	_ =	swait.ge [sflag:s29], $0x1  }
0xb6: {  	[sflag:s29] =	ssyncadd.s32 $0xFFFFFFFF  }
0xb7: {  	_ =	strace $0x90000048  }
0xb8: {  	_ =	sfence  }
0xb9: {  	s30 =	sld [smem:$0x0];
	_ =	sdelay $0x2  }
0xba: {  	s31 =	sshll.u32 s1, $0xD;
	s1 =	sshrl.u32 s1, $0x2  }
0xbb: {  	s3 =	sand.u32 $0x4000, s31;
	s1 =	sadd.s32 s1, s30  }
0xbc: {  	s0 =	sor.u32 s3, s0;
	s1 =	sshll.u32 s1, $0x11  }
0xbd: {  	s0 =	sor.u32 s1, s0  }
0xbe: {  	s0 =	sadd.s32 $0x8F2B, s0  }
0xbf: {  	[sflag:s0] =	ssyncadd.remote.s32 $0x1  }
0xc0: {  	_ =	sfence.sel $0xFFFF  }
0xc1: {  	[dreg:$0x0] =	wrdreg $0xFFFFFFFF;
	(pc) =	sbr.abs _section_cstart, $3  }
0xc2: {  	[dreg:$0x1] =	wrdreg $0xFFFFFFFF  }
0xc3: {  	_ =	task.clear_ibuf [dreg:s8], $0x2FFFF;
	_ =	strace $0x9FFFFFFF  }
0xc4: {  	(tm) =	ssettm $0x7FFFFFFF  }
0xc5: {  	_ =	shalt  }
tec
execute0_lowered:
.L_overlay_start_1:
0x0: {  	(tag) =	ssettag $0x1  }
0x1: {  	s0 =	srdreg.scid  }
0x2: {  	s1 =	rddreg [dreg:$0x0];
	s3 =	stileid.u32;
	s0 =	sand.u32 $0x1, s0  }
0x3: {  	s2 =	rddreg [dreg:$0x1];
	s5 =	sshll.u32 s3, $0xA;
	s6 =	sshll.u32 s0, $0x9  }
0x4: {  	s4 =	rddreg [dreg:$0x2];
	s5 =	sor.u32 s6, s5  }
0x5: {  	s3 =	simm.s32 $0x0;
	s6 =	sshll.u32 s5, $0x7;
	s5 =	sshrl.u32 s5, $0x3  }
0x6: {  	[smem:$0x7FF] =	sst s3;
	s7 =	sadd.s32 s6, s4;
	s2 =	sadd.s32 s2, s5  }
0x7: {  	_ =	strace $0x80000047;
	[dreg:$0x4] =	wrdreg s2;
	s11 =	sadd.s32 $0xC00, s7  }
0x8: {  	s12 =	sadd.s32 $0x1C00, s7;
	[dreg:$0x5] =	wrdreg s11  }
0x9: {  	s13 =	sadd.s32 $0x2C00, s7;
	[dreg:$0x6] =	wrdreg s12  }
0xa: {  	s14 =	sadd.s32 $0x3C00, s7;
	[dreg:$0x7] =	wrdreg s13  }
0xb: {  	s15 =	sadd.s32 $0x4C00, s7;
	[dreg:$0x8] =	wrdreg s14  }
0xc: {  	s16 =	sadd.s32 $0x5C00, s7;
	[dreg:$0x9] =	wrdreg s15  }
0xd: {  	s17 =	sadd.s32 $0x6C00, s7;
	[dreg:$0xa] =	wrdreg s16  }
0xe: {  	s8 =	simm.s32 $0x4;
	s18 =	sadd.s32 $0x7C00, s7;
	[dreg:$0xb] =	wrdreg s17  }
0xf: {  	s28 =	simm.s32 $0x1;
	s19 =	sadd.s32 $0x8C00, s7;
	[dreg:$0xc] =	wrdreg s18  }
0x10: {  	s30 =	simm.s32 $0x2;
	s20 =	sadd.s32 $0x9C00, s7;
	[dreg:$0xd] =	wrdreg s19  }
0x11: {  	s31 =	simm.s32 $0x3;
	s21 =	sadd.s32 $0xAC00, s7;
	[dreg:$0xe] =	wrdreg s20  }
0x12: {  	s0 =	ssub.s32 $0x2, s0;
	s23 =	sadd.s32 $0xBC00, s7;
	[dreg:$0xf] =	wrdreg s21  }
0x13: {  	s22 =	sshrl.u32 s0, $0x1;
	s24 =	sadd.s32 $0xCC00, s7;
	[dreg:$0x10] =	wrdreg s23  }
0x14: {  	s0 =	ssub.s32 s0, s22;
	s25 =	sadd.s32 $0xDC00, s7;
	[dreg:$0x11] =	wrdreg s24  }
0x15: {  	v2 =	vlaneseq.u32;
	s4 =	sadd.s32 $0x100, s1;
	s26 =	sadd.s32 $0xEC00, s7;
	[dreg:$0x12] =	wrdreg s25  }
0x16: {  	vm0 =	vmmov $0xffff;
	v1 =	vshrl.u32 v2, $0x3;
	s5 =	sadd.s32 $0x200, s1;
	s29 =	sadd.s32 $0xFC00, s7;
	[dreg:$0x13] =	wrdreg s26  }
0x17: {  	v0 =	vand.u32 $0x7, v2;
	v2 =	vor.u32 $0x8, v2;
	v1 =	vmul.u32 $0x8, v1;
	s6 =	sadd.s32 $0x300, s1;
	s0 =	smax.u32 s0, $0x1;
	[dreg:$0x14] =	wrdreg s29  }
.LBB2_1:
0x18: {  	[dreg:$0x15] =	wrdreg s0  }
0x19: {  	s2 =	rddreg [dreg:$0x4]  }
0x1a: {  	[tilespmem:s3], [sflag:$0x4] =	stream.linear.gather [hbm4b:s2+s3], $0x200, $0x38;
	[tilespmem:$0x18200] =	vst v63  }
0x1b: {  	_ =	swait.ge [sflag:s8], $0x200  }
0x1c: {  	[sflag:s8] =	ssyncset.done $0x0  }
0x1d: {  	[sflag:s8] =	ssyncadd.s32 $0xFFFFFE00  }
0x1e: {  	v3 =	vld [tilespmem:$0x0];
	_ =	sdelay $0x4  }
0x1f: {  	v4 =	vshll.u32 v3, $0x3  }
0x20: {  	v3 =	vand.u32 $0x7, v3;
	v4 =	vand.u32 $0xFFFFFFC0, v4  }
0x21: {  	v3 =	vor.u32 v3, v4  }
0x22: {  	v4 =	vperm.xlane v3, v0;
	_ =	sdelay $0x1  }
0x23: {  	v4 =	vadd.s32 v1, v4;
	_ =	sdelay $0x3  }
0x24: {  	s9 =	simm.s32 $0x200  }
0x25: {  	[tilespmem:s9], [sflag:$0x1] =	stream.indirect_vreg.gather [hbm4b:s1+s3], $0x80, v4, vm0, $0xb8;
	[tilespmem:$0x18200] =	vst v63  }
0x26: {  	s10 =	simm.s32 $0xA00;
	v3 =	vperm.xlane v3, v2  }
0x27: {  	[tilespmem:s10], [sflag:$0x1] =	stream.indirect_vreg.gather [hbm4b:s4+s3], $0x80, v4, vm0, $0xb8;
	[tilespmem:$0x18200] =	vst v63  }
0x28: {  	s11 =	simm.s32 $0x1200;
	v3 =	vadd.s32 v1, v3  }
0x29: {  	[tilespmem:s11], [sflag:$0x1] =	stream.indirect_vreg.gather [hbm4b:s5+s3], $0x80, v4, vm0, $0xb8;
	[tilespmem:$0x18200] =	vst v63  }
0x2a: {  	s12 =	simm.s32 $0x1A00  }
0x2b: {  	[tilespmem:s12], [sflag:$0x1] =	stream.indirect_vreg.gather [hbm4b:s6+s3], $0x80, v4, vm0, $0xb8;
	[tilespmem:$0x18200] =	vst v63  }
0x2c: {  	s13 =	simm.s32 $0x2200  }
0x2d: {  	[tilespmem:s13], [sflag:$0x1] =	stream.indirect_vreg.gather [hbm4b:s1+s3], $0x80, v3, vm0, $0xb8;
	[tilespmem:$0x18200] =	vst v63  }
0x2e: {  	s14 =	simm.s32 $0x2A00  }
0x2f: {  	[tilespmem:s14], [sflag:$0x1] =	stream.indirect_vreg.gather [hbm4b:s4+s3], $0x80, v3, vm0, $0xb8;
	[tilespmem:$0x18200] =	vst v63  }
0x30: {  	s15 =	simm.s32 $0x3200  }
0x31: {  	[tilespmem:s15], [sflag:$0x1] =	stream.indirect_vreg.gather [hbm4b:s5+s3], $0x80, v3, vm0, $0xb8;
	[tilespmem:$0x18200] =	vst v63  }
0x32: {  	s16 =	simm.s32 $0x3A00  }
0x33: {  	[tilespmem:s16], [sflag:$0x1] =	stream.indirect_vreg.gather [hbm4b:s6+s3], $0x80, v3, vm0, $0xb8;
	[tilespmem:$0x18200] =	vst v63  }
0x34: {  	v3 =	vld [tilespmem:$0x10];
	_ =	sdelay $0x4  }
0x35: {  	v33 =	vshll.u32 v3, $0x3  }
0x36: {  	v3 =	vand.u32 $0x7, v3;
	v4 =	vand.u32 $0xFFFFFFC0, v33  }
0x37: {  	v3 =	vor.u32 v3, v4  }
0x38: {  	v4 =	vperm.xlane v3, v0;
	_ =	sdelay $0x1  }
0x39: {  	v4 =	vadd.s32 v1, v4;
	_ =	sdelay $0x3  }
0x3a: {  	s17 =	simm.s32 $0x4200  }
0x3b: {  	[tilespmem:s17], [sflag:$0x1] =	stream.indirect_vreg.gather [hbm4b:s1+s3], $0x80, v4, vm0, $0xb8;
	[tilespmem:$0x18200] =	vst v63  }
0x3c: {  	s18 =	simm.s32 $0x4A00;
	v3 =	vperm.xlane v3, v2  }
0x3d: {  	[tilespmem:s18], [sflag:$0x1] =	stream.indirect_vreg.gather [hbm4b:s4+s3], $0x80, v4, vm0, $0xb8;
	[tilespmem:$0x18200] =	vst v63  }
0x3e: {  	s19 =	simm.s32 $0x5200;
	v3 =	vadd.s32 v1, v3  }
0x3f: {  	[tilespmem:s19], [sflag:$0x1] =	stream.indirect_vreg.gather [hbm4b:s5+s3], $0x80, v4, vm0, $0xb8;
	[tilespmem:$0x18200] =	vst v63  }
0x40: {  	s20 =	simm.s32 $0x5A00  }
0x41: {  	[tilespmem:s20], [sflag:$0x1] =	stream.indirect_vreg.gather [hbm4b:s6+s3], $0x80, v4, vm0, $0xb8;
	[tilespmem:$0x18200] =	vst v63  }
0x42: {  	s21 =	simm.s32 $0x6200  }
0x43: {  	[tilespmem:s21], [sflag:$0x1] =	stream.indirect_vreg.gather [hbm4b:s1+s3], $0x80, v3, vm0, $0xb8;
	[tilespmem:$0x18200] =	vst v63  }
0x44: {  	s22 =	simm.s32 $0x6A00  }
0x45: {  	[tilespmem:s22], [sflag:$0x1] =	stream.indirect_vreg.gather [hbm4b:s4+s3], $0x80, v3, vm0, $0xb8;
	[tilespmem:$0x18200] =	vst v63  }
0x46: {  	s23 =	simm.s32 $0x7200  }
0x47: {  	[tilespmem:s23], [sflag:$0x1] =	stream.indirect_vreg.gather [hbm4b:s5+s3], $0x80, v3, vm0, $0xb8;
	[tilespmem:$0x18200] =	vst v63  }
0x48: {  	s24 =	simm.s32 $0x7A00  }
0x49: {  	[tilespmem:s24], [sflag:$0x1] =	stream.indirect_vreg.gather [hbm4b:s6+s3], $0x80, v3, vm0, $0xb8;
	[tilespmem:$0x18200] =	vst v63  }
0x4a: {  	v3 =	vld [tilespmem:$0x20];
	_ =	sdelay $0x4  }
0x4b: {  	v34 =	vshll.u32 v3, $0x3  }
0x4c: {  	v3 =	vand.u32 $0x7, v3;
	v4 =	vand.u32 $0xFFFFFFC0, v34  }
0x4d: {  	v3 =	vor.u32 v3, v4  }
0x4e: {  	v4 =	vperm.xlane v3, v0;
	_ =	sdelay $0x1  }
0x4f: {  	v4 =	vadd.s32 v1, v4;
	_ =	sdelay $0x3  }
0x50: {  	s25 =	simm.s32 $0x8200  }
0x51: {  	[tilespmem:s25], [sflag:$0x2] =	stream.indirect_vreg.gather [hbm4b:s1+s3], $0x80, v4, vm0, $0xb8;
	[tilespmem:$0x18200] =	vst v63  }
0x52: {  	s26 =	simm.s32 $0x8A00;
	v3 =	vperm.xlane v3, v2  }
0x53: {  	[tilespmem:s26], [sflag:$0x2] =	stream.indirect_vreg.gather [hbm4b:s4+s3], $0x80, v4, vm0, $0xb8;
	[tilespmem:$0x18200] =	vst v63  }
0x54: {  	s29 =	simm.s32 $0x9200;
	v3 =	vadd.s32 v1, v3  }
0x55: {  	[tilespmem:s29], [sflag:$0x2] =	stream.indirect_vreg.gather [hbm4b:s5+s3], $0x80, v4, vm0, $0xb8;
	[tilespmem:$0x18200] =	vst v63  }
0x56: {  	s7 =	simm.s32 $0x9A00  }
0x57: {  	[tilespmem:s7], [sflag:$0x2] =	stream.indirect_vreg.gather [hbm4b:s6+s3], $0x80, v4, vm0, $0xb8;
	[tilespmem:$0x18200] =	vst v63  }
0x58: {  	s11 =	simm.s32 $0xA200  }
0x59: {  	[tilespmem:s11], [sflag:$0x2] =	stream.indirect_vreg.gather [hbm4b:s1+s3], $0x80, v3, vm0, $0xb8;
	[tilespmem:$0x18200] =	vst v63  }
0x5a: {  	s15 =	simm.s32 $0xAA00  }
0x5b: {  	[tilespmem:s15], [sflag:$0x2] =	stream.indirect_vreg.gather [hbm4b:s4+s3], $0x80, v3, vm0, $0xb8;
	[tilespmem:$0x18200] =	vst v63  }
0x5c: {  	s16 =	simm.s32 $0xB200  }
0x5d: {  	[tilespmem:s16], [sflag:$0x2] =	stream.indirect_vreg.gather [hbm4b:s5+s3], $0x80, v3, vm0, $0xb8;
	[tilespmem:$0x18200] =	vst v63  }
0x5e: {  	s17 =	simm.s32 $0xBA00  }
0x5f: {  	[tilespmem:s17], [sflag:$0x2] =	stream.indirect_vreg.gather [hbm4b:s6+s3], $0x80, v3, vm0, $0xb8;
	[tilespmem:$0x18200] =	vst v63  }
0x60: {  	v3 =	vld [tilespmem:$0x30];
	_ =	sdelay $0x4  }
0x61: {  	v35 =	vshll.u32 v3, $0x3  }
0x62: {  	v3 =	vand.u32 $0x7, v3;
	v4 =	vand.u32 $0xFFFFFFC0, v35  }
0x63: {  	v3 =	vor.u32 v3, v4  }
0x64: {  	v4 =	vperm.xlane v3, v0;
	_ =	sdelay $0x1  }
0x65: {  	v4 =	vadd.s32 v1, v4;
	_ =	sdelay $0x3  }
0x66: {  	s18 =	simm.s32 $0xC200  }
0x67: {  	[tilespmem:s18], [sflag:$0x2] =	stream.indirect_vreg.gather [hbm4b:s1+s3], $0x80, v4, vm0, $0xb8;
	[tilespmem:$0x18200] =	vst v63  }
0x68: {  	s21 =	simm.s32 $0xCA00;
	v3 =	vperm.xlane v3, v2  }
0x69: {  	[tilespmem:s21], [sflag:$0x2] =	stream.indirect_vreg.gather [hbm4b:s4+s3], $0x80, v4, vm0, $0xb8;
	[tilespmem:$0x18200] =	vst v63  }
0x6a: {  	s22 =	simm.s32 $0xD200;
	v3 =	vadd.s32 v1, v3  }
0x6b: {  	[tilespmem:s22], [sflag:$0x2] =	stream.indirect_vreg.gather [hbm4b:s5+s3], $0x80, v4, vm0, $0xb8;
	[tilespmem:$0x18200] =	vst v63  }
0x6c: {  	s23 =	simm.s32 $0xDA00  }
0x6d: {  	[tilespmem:s23], [sflag:$0x2] =	stream.indirect_vreg.gather [hbm4b:s6+s3], $0x80, v4, vm0, $0xb8;
	[tilespmem:$0x18200] =	vst v63  }
0x6e: {  	s24 =	simm.s32 $0xE200  }
0x6f: {  	[tilespmem:s24], [sflag:$0x2] =	stream.indirect_vreg.gather [hbm4b:s1+s3], $0x80, v3, vm0, $0xb8;
	[tilespmem:$0x18200] =	vst v63  }
0x70: {  	s25 =	simm.s32 $0xEA00  }
0x71: {  	[tilespmem:s25], [sflag:$0x2] =	stream.indirect_vreg.gather [hbm4b:s4+s3], $0x80, v3, vm0, $0xb8;
	[tilespmem:$0x18200] =	vst v63  }
0x72: {  	s26 =	simm.s32 $0xF200  }
0x73: {  	[tilespmem:s26], [sflag:$0x2] =	stream.indirect_vreg.gather [hbm4b:s5+s3], $0x80, v3, vm0, $0xb8;
	[tilespmem:$0x18200] =	vst v63  }
0x74: {  	s7 =	simm.s32 $0xFA00  }
0x75: {  	[tilespmem:s7], [sflag:$0x2] =	stream.indirect_vreg.gather [hbm4b:s6+s3], $0x80, v3, vm0, $0xb8;
	[tilespmem:$0x18200] =	vst v63  }
0x76: {  	_ =	swait.ge [sflag:s28], $0x8000  }
0x77: {  	[sflag:s28] =	ssyncset.done $0x0  }
0x78: {  	[sflag:s28] =	ssyncadd.s32 $0xFFFF8000  }
0x79: {  	v3 =	vld [tilespmem:$0x40];
	_ =	sdelay $0x4  }
0x7a: {  	v36 =	vshll.u32 v3, $0x3  }
0x7b: {  	v3 =	vand.u32 $0x7, v3;
	v4 =	vand.u32 $0xFFFFFFC0, v36  }
0x7c: {  	v3 =	vor.u32 v3, v4  }
0x7d: {  	v4 =	vperm.xlane v3, v0;
	_ =	sdelay $0x1  }
0x7e: {  	v4 =	vadd.s32 v1, v4;
	_ =	sdelay $0x3  }
0x7f: {  	s11 =	simm.s32 $0x10200  }
0x80: {  	[tilespmem:s11], [sflag:$0x3] =	stream.indirect_vreg.gather [hbm4b:s1+s3], $0x80, v4, vm0, $0xb8;
	[tilespmem:$0x18200] =	vst v63  }
0x81: {  	s15 =	simm.s32 $0x10A00;
	v3 =	vperm.xlane v3, v2  }
0x82: {  	[tilespmem:s15], [sflag:$0x3] =	stream.indirect_vreg.gather [hbm4b:s4+s3], $0x80, v4, vm0, $0xb8;
	[tilespmem:$0x18200] =	vst v63  }
0x83: {  	s16 =	simm.s32 $0x11200;
	v3 =	vadd.s32 v1, v3  }
0x84: {  	[tilespmem:s16], [sflag:$0x3] =	stream.indirect_vreg.gather [hbm4b:s5+s3], $0x80, v4, vm0, $0xb8;
	[tilespmem:$0x18200] =	vst v63  }
0x85: {  	s21 =	simm.s32 $0x11A00  }
0x86: {  	[tilespmem:s21], [sflag:$0x3] =	stream.indirect_vreg.gather [hbm4b:s6+s3], $0x80, v4, vm0, $0xb8;
	[tilespmem:$0x18200] =	vst v63  }
0x87: {  	s22 =	simm.s32 $0x12200  }
0x88: {  	[tilespmem:s22], [sflag:$0x3] =	stream.indirect_vreg.gather [hbm4b:s1+s3], $0x80, v3, vm0, $0xb8;
	[tilespmem:$0x18200] =	vst v63  }
0x89: {  	s23 =	simm.s32 $0x12A00  }
0x8a: {  	[tilespmem:s23], [sflag:$0x3] =	stream.indirect_vreg.gather [hbm4b:s4+s3], $0x80, v3, vm0, $0xb8;
	[tilespmem:$0x18200] =	vst v63  }
0x8b: {  	s24 =	simm.s32 $0x13200  }
0x8c: {  	[tilespmem:s24], [sflag:$0x3] =	stream.indirect_vreg.gather [hbm4b:s5+s3], $0x80, v3, vm0, $0xb8;
	[tilespmem:$0x18200] =	vst v63  }
0x8d: {  	s25 =	simm.s32 $0x13A00  }
0x8e: {  	[tilespmem:s25], [sflag:$0x3] =	stream.indirect_vreg.gather [hbm4b:s6+s3], $0x80, v3, vm0, $0xb8;
	[tilespmem:$0x18200] =	vst v63  }
0x8f: {  	v3 =	vld [tilespmem:$0x50];
	_ =	sdelay $0x4  }
0x90: {  	v37 =	vshll.u32 v3, $0x3  }
0x91: {  	v3 =	vand.u32 $0x7, v3;
	v4 =	vand.u32 $0xFFFFFFC0, v37  }
0x92: {  	v3 =	vor.u32 v3, v4  }
0x93: {  	v4 =	vperm.xlane v3, v0;
	_ =	sdelay $0x1  }
0x94: {  	v4 =	vadd.s32 v1, v4;
	_ =	sdelay $0x3  }
0x95: {  	s26 =	simm.s32 $0x14200  }
0x96: {  	[tilespmem:s26], [sflag:$0x3] =	stream.indirect_vreg.gather [hbm4b:s1+s3], $0x80, v4, vm0, $0xb8;
	[tilespmem:$0x18200] =	vst v63  }
0x97: {  	s7 =	simm.s32 $0x14A00;
	v3 =	vperm.xlane v3, v2  }
0x98: {  	[tilespmem:s7], [sflag:$0x3] =	stream.indirect_vreg.gather [hbm4b:s4+s3], $0x80, v4, vm0, $0xb8;
	[tilespmem:$0x18200] =	vst v63  }
0x99: {  	s11 =	simm.s32 $0x15200;
	v3 =	vadd.s32 v1, v3  }
0x9a: {  	[tilespmem:s11], [sflag:$0x3] =	stream.indirect_vreg.gather [hbm4b:s5+s3], $0x80, v4, vm0, $0xb8;
	[tilespmem:$0x18200] =	vst v63  }
0x9b: {  	s15 =	simm.s32 $0x15A00  }
0x9c: {  	[tilespmem:s15], [sflag:$0x3] =	stream.indirect_vreg.gather [hbm4b:s6+s3], $0x80, v4, vm0, $0xb8;
	[tilespmem:$0x18200] =	vst v63  }
0x9d: {  	s16 =	simm.s32 $0x16200  }
0x9e: {  	[tilespmem:s16], [sflag:$0x3] =	stream.indirect_vreg.gather [hbm4b:s1+s3], $0x80, v3, vm0, $0xb8;
	[tilespmem:$0x18200] =	vst v63  }
0x9f: {  	s23 =	simm.s32 $0x16A00  }
0xa0: {  	[tilespmem:s23], [sflag:$0x3] =	stream.indirect_vreg.gather [hbm4b:s4+s3], $0x80, v3, vm0, $0xb8;
	[tilespmem:$0x18200] =	vst v63  }
0xa1: {  	s24 =	simm.s32 $0x17200  }
0xa2: {  	[tilespmem:s24], [sflag:$0x3] =	stream.indirect_vreg.gather [hbm4b:s5+s3], $0x80, v3, vm0, $0xb8;
	[tilespmem:$0x18200] =	vst v63  }
0xa3: {  	s11 =	simm.s32 $0x17A00  }
0xa4: {  	[tilespmem:s11], [sflag:$0x3] =	stream.indirect_vreg.gather [hbm4b:s6+s3], $0x80, v3, vm0, $0xb8;
	[tilespmem:$0x18200] =	vst v63  }
0xa5: {  	s25 =	rddreg [dreg:$0x5];
	s7 =	simm.s32 $0x200  }
0xa6: {  	[hbm4b:s25+s3] =	stream.linear.scatter [tilespmem:s7], [sflag:$0x4], $0x8000, $0x38;
	[tilespmem:$0x18200] =	vst v63  }
0xa7: {  	_ =	swait.ge [sflag:s8], $0x8000  }
0xa8: {  	[sflag:s8] =	ssyncset.done $0x0  }
0xa9: {  	[sflag:s8] =	ssyncadd.s32 $0xFFFF8000  }
0xaa: {  	_ =	swait.ge [sflag:s30], $0x8000  }
0xab: {  	[sflag:s30] =	ssyncset.done $0x0  }
0xac: {  	[sflag:s30] =	ssyncadd.s32 $0xFFFF8000  }
0xad: {  	v3 =	vld [tilespmem:$0x60];
	_ =	sdelay $0x4  }
0xae: {  	v38 =	vshll.u32 v3, $0x3  }
0xaf: {  	v3 =	vand.u32 $0x7, v3;
	v4 =	vand.u32 $0xFFFFFFC0, v38  }
0xb0: {  	v3 =	vor.u32 v3, v4  }
0xb1: {  	v4 =	vperm.xlane v3, v0;
	_ =	sdelay $0x1  }
0xb2: {  	v4 =	vadd.s32 v1, v4;
	_ =	sdelay $0x4  }
0xb3: {  	[tilespmem:s7], [sflag:$0x1] =	stream.indirect_vreg.gather [hbm4b:s1+s3], $0x80, v4, vm0, $0xb8;
	[tilespmem:$0x18200] =	vst v63  }
0xb4: {  	s10 =	simm.s32 $0xA00;
	v3 =	vperm.xlane v3, v2  }
0xb5: {  	[tilespmem:s10], [sflag:$0x1] =	stream.indirect_vreg.gather [hbm4b:s4+s3], $0x80, v4, vm0, $0xb8;
	[tilespmem:$0x18200] =	vst v63  }
0xb6: {  	s25 =	simm.s32 $0x1200;
	v3 =	vadd.s32 v1, v3  }
0xb7: {  	[tilespmem:s25], [sflag:$0x1] =	stream.indirect_vreg.gather [hbm4b:s5+s3], $0x80, v4, vm0, $0xb8;
	[tilespmem:$0x18200] =	vst v63  }
0xb8: {  	s24 =	simm.s32 $0x1A00  }
0xb9: {  	[tilespmem:s24], [sflag:$0x1] =	stream.indirect_vreg.gather [hbm4b:s6+s3], $0x80, v4, vm0, $0xb8;
	[tilespmem:$0x18200] =	vst v63  }
0xba: {  	s23 =	simm.s32 $0x2200  }
0xbb: {  	[tilespmem:s23], [sflag:$0x1] =	stream.indirect_vreg.gather [hbm4b:s1+s3], $0x80, v3, vm0, $0xb8;
	[tilespmem:$0x18200] =	vst v63  }
0xbc: {  	s10 =	simm.s32 $0x2A00  }
0xbd: {  	[tilespmem:s10], [sflag:$0x1] =	stream.indirect_vreg.gather [hbm4b:s4+s3], $0x80, v3, vm0, $0xb8;
	[tilespmem:$0x18200] =	vst v63  }
0xbe: {  	s11 =	simm.s32 $0x3200  }
0xbf: {  	[tilespmem:s11], [sflag:$0x1] =	stream.indirect_vreg.gather [hbm4b:s5+s3], $0x80, v3, vm0, $0xb8;
	[tilespmem:$0x18200] =	vst v63  }
0xc0: {  	s12 =	simm.s32 $0x3A00  }
0xc1: {  	[tilespmem:s12], [sflag:$0x1] =	stream.indirect_vreg.gather [hbm4b:s6+s3], $0x80, v3, vm0, $0xb8;
	[tilespmem:$0x18200] =	vst v63  }
0xc2: {  	v3 =	vld [tilespmem:$0x70];
	_ =	sdelay $0x4  }
0xc3: {  	v39 =	vshll.u32 v3, $0x3  }
0xc4: {  	v3 =	vand.u32 $0x7, v3;
	v4 =	vand.u32 $0xFFFFFFC0, v39  }
0xc5: {  	v3 =	vor.u32 v3, v4  }
0xc6: {  	v4 =	vperm.xlane v3, v0;
	_ =	sdelay $0x1  }
0xc7: {  	v4 =	vadd.s32 v1, v4;
	_ =	sdelay $0x3  }
0xc8: {  	s13 =	simm.s32 $0x4200  }
0xc9: {  	[tilespmem:s13], [sflag:$0x1] =	stream.indirect_vreg.gather [hbm4b:s1+s3], $0x80, v4, vm0, $0xb8;
	[tilespmem:$0x18200] =	vst v63  }
0xca: {  	s14 =	simm.s32 $0x4A00;
	v3 =	vperm.xlane v3, v2  }
0xcb: {  	[tilespmem:s14], [sflag:$0x1] =	stream.indirect_vreg.gather [hbm4b:s4+s3], $0x80, v4, vm0, $0xb8;
	[tilespmem:$0x18200] =	vst v63  }
0xcc: {  	s12 =	simm.s32 $0x5200;
	v3 =	vadd.s32 v1, v3  }
0xcd: {  	[tilespmem:s12], [sflag:$0x1] =	stream.indirect_vreg.gather [hbm4b:s5+s3], $0x80, v4, vm0, $0xb8;
	[tilespmem:$0x18200] =	vst v63  }
0xce: {  	s13 =	simm.s32 $0x5A00  }
0xcf: {  	[tilespmem:s13], [sflag:$0x1] =	stream.indirect_vreg.gather [hbm4b:s6+s3], $0x80, v4, vm0, $0xb8;
	[tilespmem:$0x18200] =	vst v63  }
0xd0: {  	s14 =	simm.s32 $0x6200  }
0xd1: {  	[tilespmem:s14], [sflag:$0x1] =	stream.indirect_vreg.gather [hbm4b:s1+s3], $0x80, v3, vm0, $0xb8;
	[tilespmem:$0x18200] =	vst v63  }
0xd2: {  	s15 =	simm.s32 $0x6A00  }
0xd3: {  	[tilespmem:s15], [sflag:$0x1] =	stream.indirect_vreg.gather [hbm4b:s4+s3], $0x80, v3, vm0, $0xb8;
	[tilespmem:$0x18200] =	vst v63  }
0xd4: {  	s16 =	simm.s32 $0x7200  }
0xd5: {  	[tilespmem:s16], [sflag:$0x1] =	stream.indirect_vreg.gather [hbm4b:s5+s3], $0x80, v3, vm0, $0xb8;
	[tilespmem:$0x18200] =	vst v63  }
0xd6: {  	s0 =	simm.s32 $0x7A00  }
0xd7: {  	[tilespmem:s0], [sflag:$0x1] =	stream.indirect_vreg.gather [hbm4b:s6+s3], $0x80, v3, vm0, $0xb8;
	[tilespmem:$0x18200] =	vst v63  }
0xd8: {  	s2 =	rddreg [dreg:$0x6];
	s7 =	simm.s32 $0x8200  }
0xd9: {  	[hbm4b:s2+s3] =	stream.linear.scatter [tilespmem:s7], [sflag:$0x4], $0x8000, $0x38;
	[tilespmem:$0x18200] =	vst v63  }
0xda: {  	_ =	swait.ge [sflag:s8], $0x8000  }
0xdb: {  	[sflag:s8] =	ssyncset.done $0x0  }
0xdc: {  	[sflag:s8] =	ssyncadd.s32 $0xFFFF8000  }
0xdd: {  	_ =	swait.ge [sflag:s31], $0x8000  }
0xde: {  	[sflag:s31] =	ssyncset.done $0x0  }
0xdf: {  	[sflag:s31] =	ssyncadd.s32 $0xFFFF8000  }
0xe0: {  	v3 =	vld [tilespmem:$0x80];
	_ =	sdelay $0x4  }
0xe1: {  	v40 =	vshll.u32 v3, $0x3  }
0xe2: {  	v3 =	vand.u32 $0x7, v3;
	v4 =	vand.u32 $0xFFFFFFC0, v40  }
0xe3: {  	v3 =	vor.u32 v3, v4  }
0xe4: {  	v4 =	vperm.xlane v3, v0;
	_ =	sdelay $0x1  }
0xe5: {  	v4 =	vadd.s32 v1, v4;
	_ =	sdelay $0x4  }
0xe6: {  	[tilespmem:s7], [sflag:$0x2] =	stream.indirect_vreg.gather [hbm4b:s1+s3], $0x80, v4, vm0, $0xb8;
	[tilespmem:$0x18200] =	vst v63  }
0xe7: {  	s9 =	simm.s32 $0x8A00;
	v3 =	vperm.xlane v3, v2  }
0xe8: {  	[tilespmem:s9], [sflag:$0x2] =	stream.indirect_vreg.gather [hbm4b:s4+s3], $0x80, v4, vm0, $0xb8;
	[tilespmem:$0x18200] =	vst v63  }
0xe9: {  	s19 =	simm.s32 $0x9200;
	v3 =	vadd.s32 v1, v3  }
0xea: {  	[tilespmem:s19], [sflag:$0x2] =	stream.indirect_vreg.gather [hbm4b:s5+s3], $0x80, v4, vm0, $0xb8;
	[tilespmem:$0x18200] =	vst v63  }
0xeb: {  	s20 =	simm.s32 $0x9A00  }
0xec: {  	[tilespmem:s20], [sflag:$0x2] =	stream.indirect_vreg.gather [hbm4b:s6+s3], $0x80, v4, vm0, $0xb8;
	[tilespmem:$0x18200] =	vst v63  }
0xed: {  	s29 =	simm.s32 $0xA200  }
0xee: {  	[tilespmem:s29], [sflag:$0x2] =	stream.indirect_vreg.gather [hbm4b:s1+s3], $0x80, v3, vm0, $0xb8;
	[tilespmem:$0x18200] =	vst v63  }
0xef: {  	s9 =	simm.s32 $0xAA00  }
0xf0: {  	[tilespmem:s9], [sflag:$0x2] =	stream.indirect_vreg.gather [hbm4b:s4+s3], $0x80, v3, vm0, $0xb8;
	[tilespmem:$0x18200] =	vst v63  }
0xf1: {  	s29 =	simm.s32 $0xB200  }
0xf2: {  	[tilespmem:s29], [sflag:$0x2] =	stream.indirect_vreg.gather [hbm4b:s5+s3], $0x80, v3, vm0, $0xb8;
	[tilespmem:$0x18200] =	vst v63  }
0xf3: {  	s2 =	simm.s32 $0xBA00  }
0xf4: {  	[tilespmem:s2], [sflag:$0x2] =	stream.indirect_vreg.gather [hbm4b:s6+s3], $0x80, v3, vm0, $0xb8;
	[tilespmem:$0x18200] =	vst v63  }
0xf5: {  	v3 =	vld [tilespmem:$0x90];
	_ =	sdelay $0x4  }
0xf6: {  	v41 =	vshll.u32 v3, $0x3  }
0xf7: {  	v3 =	vand.u32 $0x7, v3;
	v4 =	vand.u32 $0xFFFFFFC0, v41  }
0xf8: {  	v3 =	vor.u32 v3, v4  }
0xf9: {  	v4 =	vperm.xlane v3, v0;
	_ =	sdelay $0x1  }
0xfa: {  	v4 =	vadd.s32 v1, v4;
	_ =	sdelay $0x3  }
0xfb: {  	s7 =	simm.s32 $0xC200  }
0xfc: {  	[tilespmem:s7], [sflag:$0x2] =	stream.indirect_vreg.gather [hbm4b:s1+s3], $0x80, v4, vm0, $0xb8;
	[tilespmem:$0x18200] =	vst v63  }
0xfd: {  	s19 =	simm.s32 $0xCA00;
	v3 =	vperm.xlane v3, v2  }
0xfe: {  	[tilespmem:s19], [sflag:$0x2] =	stream.indirect_vreg.gather [hbm4b:s4+s3], $0x80, v4, vm0, $0xb8;
	[tilespmem:$0x18200] =	vst v63  }
0xff: {  	s20 =	simm.s32 $0xD200;
	v3 =	vadd.s32 v1, v3  }
0x100: {  	[tilespmem:s20], [sflag:$0x2] =	stream.indirect_vreg.gather [hbm4b:s5+s3], $0x80, v4, vm0, $0xb8;
	[tilespmem:$0x18200] =	vst v63  }
0x101: {  	s29 =	simm.s32 $0xDA00  }
0x102: {  	[tilespmem:s29], [sflag:$0x2] =	stream.indirect_vreg.gather [hbm4b:s6+s3], $0x80, v4, vm0, $0xb8;
	[tilespmem:$0x18200] =	vst v63  }
0x103: {  	s2 =	simm.s32 $0xE200  }
0x104: {  	[tilespmem:s2], [sflag:$0x2] =	stream.indirect_vreg.gather [hbm4b:s1+s3], $0x80, v3, vm0, $0xb8;
	[tilespmem:$0x18200] =	vst v63  }
0x105: {  	s7 =	simm.s32 $0xEA00  }
0x106: {  	[tilespmem:s7], [sflag:$0x2] =	stream.indirect_vreg.gather [hbm4b:s4+s3], $0x80, v3, vm0, $0xb8;
	[tilespmem:$0x18200] =	vst v63  }
0x107: {  	s19 =	simm.s32 $0xF200  }
0x108: {  	[tilespmem:s19], [sflag:$0x2] =	stream.indirect_vreg.gather [hbm4b:s5+s3], $0x80, v3, vm0, $0xb8;
	[tilespmem:$0x18200] =	vst v63  }
0x109: {  	s18 =	simm.s32 $0xFA00  }
0x10a: {  	[tilespmem:s18], [sflag:$0x2] =	stream.indirect_vreg.gather [hbm4b:s6+s3], $0x80, v3, vm0, $0xb8;
	[tilespmem:$0x18200] =	vst v63  }
0x10b: {  	s20 =	rddreg [dreg:$0x7];
	s29 =	simm.s32 $0x10200  }
0x10c: {  	[hbm4b:s20+s3] =	stream.linear.scatter [tilespmem:s29], [sflag:$0x4], $0x8000, $0x38;
	[tilespmem:$0x18200] =	vst v63  }
0x10d: {  	_ =	swait.ge [sflag:s8], $0x8000  }
0x10e: {  	[sflag:s8] =	ssyncset.done $0x0  }
0x10f: {  	[sflag:s8] =	ssyncadd.s32 $0xFFFF8000  }
0x110: {  	_ =	swait.ge [sflag:s28], $0x8000  }
0x111: {  	[sflag:s28] =	ssyncset.done $0x0  }
0x112: {  	[sflag:s28] =	ssyncadd.s32 $0xFFFF8000  }
0x113: {  	v3 =	vld [tilespmem:$0xA0];
	_ =	sdelay $0x4  }
0x114: {  	v42 =	vshll.u32 v3, $0x3  }
0x115: {  	v3 =	vand.u32 $0x7, v3;
	v4 =	vand.u32 $0xFFFFFFC0, v42  }
0x116: {  	v3 =	vor.u32 v3, v4  }
0x117: {  	v4 =	vperm.xlane v3, v0;
	_ =	sdelay $0x1  }
0x118: {  	v4 =	vadd.s32 v1, v4;
	_ =	sdelay $0x4  }
0x119: {  	[tilespmem:s29], [sflag:$0x3] =	stream.indirect_vreg.gather [hbm4b:s1+s3], $0x80, v4, vm0, $0xb8;
	[tilespmem:$0x18200] =	vst v63  }
0x11a: {  	s17 =	simm.s32 $0x10A00;
	v3 =	vperm.xlane v3, v2  }
0x11b: {  	[tilespmem:s17], [sflag:$0x3] =	stream.indirect_vreg.gather [hbm4b:s4+s3], $0x80, v4, vm0, $0xb8;
	[tilespmem:$0x18200] =	vst v63  }
0x11c: {  	s0 =	simm.s32 $0x11200;
	v3 =	vadd.s32 v1, v3  }
0x11d: {  	[tilespmem:s0], [sflag:$0x3] =	stream.indirect_vreg.gather [hbm4b:s5+s3], $0x80, v4, vm0, $0xb8;
	[tilespmem:$0x18200] =	vst v63  }
0x11e: {  	s17 =	simm.s32 $0x11A00  }
0x11f: {  	[tilespmem:s17], [sflag:$0x3] =	stream.indirect_vreg.gather [hbm4b:s6+s3], $0x80, v4, vm0, $0xb8;
	[tilespmem:$0x18200] =	vst v63  }
0x120: {  	s18 =	simm.s32 $0x12200  }
0x121: {  	[tilespmem:s18], [sflag:$0x3] =	stream.indirect_vreg.gather [hbm4b:s1+s3], $0x80, v3, vm0, $0xb8;
	[tilespmem:$0x18200] =	vst v63  }
0x122: {  	s19 =	simm.s32 $0x12A00  }
0x123: {  	[tilespmem:s19], [sflag:$0x3] =	stream.indirect_vreg.gather [hbm4b:s4+s3], $0x80, v3, vm0, $0xb8;
	[tilespmem:$0x18200] =	vst v63  }
0x124: {  	s20 =	simm.s32 $0x13200  }
0x125: {  	[tilespmem:s20], [sflag:$0x3] =	stream.indirect_vreg.gather [hbm4b:s5+s3], $0x80, v3, vm0, $0xb8;
	[tilespmem:$0x18200] =	vst v63  }
0x126: {  	s21 =	simm.s32 $0x13A00  }
0x127: {  	[tilespmem:s21], [sflag:$0x3] =	stream.indirect_vreg.gather [hbm4b:s6+s3], $0x80, v3, vm0, $0xb8;
	[tilespmem:$0x18200] =	vst v63  }
0x128: {  	v3 =	vld [tilespmem:$0xB0];
	_ =	sdelay $0x4  }
0x129: {  	v43 =	vshll.u32 v3, $0x3  }
0x12a: {  	v3 =	vand.u32 $0x7, v3;
	v4 =	vand.u32 $0xFFFFFFC0, v43  }
0x12b: {  	v3 =	vor.u32 v3, v4  }
0x12c: {  	v4 =	vperm.xlane v3, v0;
	_ =	sdelay $0x1  }
0x12d: {  	v4 =	vadd.s32 v1, v4;
	_ =	sdelay $0x3  }
0x12e: {  	s22 =	simm.s32 $0x14200  }
0x12f: {  	[tilespmem:s22], [sflag:$0x3] =	stream.indirect_vreg.gather [hbm4b:s1+s3], $0x80, v4, vm0, $0xb8;
	[tilespmem:$0x18200] =	vst v63  }
0x130: {  	s26 =	simm.s32 $0x14A00;
	v3 =	vperm.xlane v3, v2  }
0x131: {  	[tilespmem:s26], [sflag:$0x3] =	stream.indirect_vreg.gather [hbm4b:s4+s3], $0x80, v4, vm0, $0xb8;
	[tilespmem:$0x18200] =	vst v63  }
0x132: {  	s21 =	simm.s32 $0x15200;
	v3 =	vadd.s32 v1, v3  }
0x133: {  	[tilespmem:s21], [sflag:$0x3] =	stream.indirect_vreg.gather [hbm4b:s5+s3], $0x80, v4, vm0, $0xb8;
	[tilespmem:$0x18200] =	vst v63  }
0x134: {  	s22 =	simm.s32 $0x15A00  }
0x135: {  	[tilespmem:s22], [sflag:$0x3] =	stream.indirect_vreg.gather [hbm4b:s6+s3], $0x80, v4, vm0, $0xb8;
	[tilespmem:$0x18200] =	vst v63  }
0x136: {  	s26 =	simm.s32 $0x16200  }
0x137: {  	[tilespmem:s26], [sflag:$0x3] =	stream.indirect_vreg.gather [hbm4b:s1+s3], $0x80, v3, vm0, $0xb8;
	[tilespmem:$0x18200] =	vst v63  }
0x138: {  	s29 =	simm.s32 $0x16A00  }
0x139: {  	[tilespmem:s29], [sflag:$0x3] =	stream.indirect_vreg.gather [hbm4b:s4+s3], $0x80, v3, vm0, $0xb8;
	[tilespmem:$0x18200] =	vst v63  }
0x13a: {  	s7 =	simm.s32 $0x17200  }
0x13b: {  	[tilespmem:s7], [sflag:$0x3] =	stream.indirect_vreg.gather [hbm4b:s5+s3], $0x80, v3, vm0, $0xb8;
	[tilespmem:$0x18200] =	vst v63  }
0x13c: {  	s7 =	simm.s32 $0x17A00  }
0x13d: {  	[tilespmem:s7], [sflag:$0x3] =	stream.indirect_vreg.gather [hbm4b:s6+s3], $0x80, v3, vm0, $0xb8;
	[tilespmem:$0x18200] =	vst v63  }
0x13e: {  	s2 =	rddreg [dreg:$0x8];
	s7 =	simm.s32 $0x200  }
0x13f: {  	[hbm4b:s2+s3] =	stream.linear.scatter [tilespmem:s7], [sflag:$0x4], $0x8000, $0x38;
	[tilespmem:$0x18200] =	vst v63  }
0x140: {  	_ =	swait.ge [sflag:s8], $0x8000  }
0x141: {  	[sflag:s8] =	ssyncset.done $0x0  }
0x142: {  	[sflag:s8] =	ssyncadd.s32 $0xFFFF8000  }
0x143: {  	_ =	swait.ge [sflag:s30], $0x8000  }
0x144: {  	[sflag:s30] =	ssyncset.done $0x0  }
0x145: {  	[sflag:s30] =	ssyncadd.s32 $0xFFFF8000  }
0x146: {  	v3 =	vld [tilespmem:$0xC0];
	_ =	sdelay $0x4  }
0x147: {  	v44 =	vshll.u32 v3, $0x3  }
0x148: {  	v3 =	vand.u32 $0x7, v3;
	v4 =	vand.u32 $0xFFFFFFC0, v44  }
0x149: {  	v3 =	vor.u32 v3, v4  }
0x14a: {  	v4 =	vperm.xlane v3, v0;
	_ =	sdelay $0x1  }
0x14b: {  	v4 =	vadd.s32 v1, v4;
	_ =	sdelay $0x4  }
0x14c: {  	[tilespmem:s7], [sflag:$0x1] =	stream.indirect_vreg.gather [hbm4b:s1+s3], $0x80, v4, vm0, $0xb8;
	[tilespmem:$0x18200] =	vst v63  }
0x14d: {  	v3 =	vperm.xlane v3, v2;
	s7 =	simm.s32 $0xA00  }
0x14e: {  	[tilespmem:s7], [sflag:$0x1] =	stream.indirect_vreg.gather [hbm4b:s4+s3], $0x80, v4, vm0, $0xb8;
	[tilespmem:$0x18200] =	vst v63  }
0x14f: {  	v3 =	vadd.s32 v1, v3  }
0x150: {  	[tilespmem:s25], [sflag:$0x1] =	stream.indirect_vreg.gather [hbm4b:s5+s3], $0x80, v4, vm0, $0xb8;
	[tilespmem:$0x18200] =	vst v63  }
0x151: {  	_ = 	snop  }
0x152: {  	[tilespmem:s24], [sflag:$0x1] =	stream.indirect_vreg.gather [hbm4b:s6+s3], $0x80, v4, vm0, $0xb8;
	[tilespmem:$0x18200] =	vst v63  }
0x153: {  	_ = 	snop  }
0x154: {  	[tilespmem:s23], [sflag:$0x1] =	stream.indirect_vreg.gather [hbm4b:s1+s3], $0x80, v3, vm0, $0xb8;
	[tilespmem:$0x18200] =	vst v63  }
0x155: {  	_ = 	snop  }
0x156: {  	[tilespmem:s10], [sflag:$0x1] =	stream.indirect_vreg.gather [hbm4b:s4+s3], $0x80, v3, vm0, $0xb8;
	[tilespmem:$0x18200] =	vst v63  }
0x157: {  	_ = 	snop  }
0x158: {  	[tilespmem:s11], [sflag:$0x1] =	stream.indirect_vreg.gather [hbm4b:s5+s3], $0x80, v3, vm0, $0xb8;
	[tilespmem:$0x18200] =	vst v63  }
0x159: {  	s10 =	simm.s32 $0x3A00  }
0x15a: {  	[tilespmem:s10], [sflag:$0x1] =	stream.indirect_vreg.gather [hbm4b:s6+s3], $0x80, v3, vm0, $0xb8;
	[tilespmem:$0x18200] =	vst v63  }
0x15b: {  	v3 =	vld [tilespmem:$0xD0];
	_ =	sdelay $0x4  }
0x15c: {  	v45 =	vshll.u32 v3, $0x3  }
0x15d: {  	v3 =	vand.u32 $0x7, v3;
	v4 =	vand.u32 $0xFFFFFFC0, v45  }
0x15e: {  	v3 =	vor.u32 v3, v4  }
0x15f: {  	v4 =	vperm.xlane v3, v0;
	_ =	sdelay $0x1  }
0x160: {  	v4 =	vadd.s32 v1, v4;
	_ =	sdelay $0x3  }
0x161: {  	s11 =	simm.s32 $0x4200  }
0x162: {  	[tilespmem:s11], [sflag:$0x1] =	stream.indirect_vreg.gather [hbm4b:s1+s3], $0x80, v4, vm0, $0xb8;
	[tilespmem:$0x18200] =	vst v63  }
0x163: {  	s7 =	simm.s32 $0x4A00;
	v3 =	vperm.xlane v3, v2  }
0x164: {  	[tilespmem:s7], [sflag:$0x1] =	stream.indirect_vreg.gather [hbm4b:s4+s3], $0x80, v4, vm0, $0xb8;
	[tilespmem:$0x18200] =	vst v63  }
0x165: {  	v3 =	vadd.s32 v1, v3  }
0x166: {  	[tilespmem:s12], [sflag:$0x1] =	stream.indirect_vreg.gather [hbm4b:s5+s3], $0x80, v4, vm0, $0xb8;
	[tilespmem:$0x18200] =	vst v63  }
0x167: {  	_ = 	snop  }
0x168: {  	[tilespmem:s13], [sflag:$0x1] =	stream.indirect_vreg.gather [hbm4b:s6+s3], $0x80, v4, vm0, $0xb8;
	[tilespmem:$0x18200] =	vst v63  }
0x169: {  	_ = 	snop  }
0x16a: {  	[tilespmem:s14], [sflag:$0x1] =	stream.indirect_vreg.gather [hbm4b:s1+s3], $0x80, v3, vm0, $0xb8;
	[tilespmem:$0x18200] =	vst v63  }
0x16b: {  	_ = 	snop  }
0x16c: {  	[tilespmem:s15], [sflag:$0x1] =	stream.indirect_vreg.gather [hbm4b:s4+s3], $0x80, v3, vm0, $0xb8;
	[tilespmem:$0x18200] =	vst v63  }
0x16d: {  	_ = 	snop  }
0x16e: {  	[tilespmem:s16], [sflag:$0x1] =	stream.indirect_vreg.gather [hbm4b:s5+s3], $0x80, v3, vm0, $0xb8;
	[tilespmem:$0x18200] =	vst v63  }
0x16f: {  	s12 =	simm.s32 $0x7A00  }
0x170: {  	[tilespmem:s12], [sflag:$0x1] =	stream.indirect_vreg.gather [hbm4b:s6+s3], $0x80, v3, vm0, $0xb8;
	[tilespmem:$0x18200] =	vst v63  }
0x171: {  	s15 =	rddreg [dreg:$0x9];
	s16 =	simm.s32 $0x8200  }
0x172: {  	[hbm4b:s15+s3] =	stream.linear.scatter [tilespmem:s16], [sflag:$0x4], $0x8000, $0x38;
	[tilespmem:$0x18200] =	vst v63  }
0x173: {  	_ =	swait.ge [sflag:s8], $0x8000  }
0x174: {  	[sflag:s8] =	ssyncset.done $0x0  }
0x175: {  	[sflag:s8] =	ssyncadd.s32 $0xFFFF8000  }
0x176: {  	_ =	swait.ge [sflag:s31], $0x8000  }
0x177: {  	[sflag:s31] =	ssyncset.done $0x0  }
0x178: {  	[sflag:s31] =	ssyncadd.s32 $0xFFFF8000  }
0x179: {  	v3 =	vld [tilespmem:$0xE0];
	_ =	sdelay $0x4  }
0x17a: {  	v46 =	vshll.u32 v3, $0x3  }
0x17b: {  	v3 =	vand.u32 $0x7, v3;
	v4 =	vand.u32 $0xFFFFFFC0, v46  }
0x17c: {  	v3 =	vor.u32 v3, v4  }
0x17d: {  	v4 =	vperm.xlane v3, v0;
	_ =	sdelay $0x1  }
0x17e: {  	v4 =	vadd.s32 v1, v4;
	_ =	sdelay $0x4  }
0x17f: {  	[tilespmem:s16], [sflag:$0x2] =	stream.indirect_vreg.gather [hbm4b:s1+s3], $0x80, v4, vm0, $0xb8;
	[tilespmem:$0x18200] =	vst v63  }
0x180: {  	s23 =	simm.s32 $0x8A00;
	v3 =	vperm.xlane v3, v2  }
0x181: {  	[tilespmem:s23], [sflag:$0x2] =	stream.indirect_vreg.gather [hbm4b:s4+s3], $0x80, v4, vm0, $0xb8;
	[tilespmem:$0x18200] =	vst v63  }
0x182: {  	s24 =	simm.s32 $0x9200;
	v3 =	vadd.s32 v1, v3  }
0x183: {  	[tilespmem:s24], [sflag:$0x2] =	stream.indirect_vreg.gather [hbm4b:s5+s3], $0x80, v4, vm0, $0xb8;
	[tilespmem:$0x18200] =	vst v63  }
0x184: {  	s25 =	simm.s32 $0x9A00  }
0x185: {  	[tilespmem:s25], [sflag:$0x2] =	stream.indirect_vreg.gather [hbm4b:s6+s3], $0x80, v4, vm0, $0xb8;
	[tilespmem:$0x18200] =	vst v63  }
0x186: {  	s13 =	simm.s32 $0xA200  }
0x187: {  	[tilespmem:s13], [sflag:$0x2] =	stream.indirect_vreg.gather [hbm4b:s1+s3], $0x80, v3, vm0, $0xb8;
	[tilespmem:$0x18200] =	vst v63  }
0x188: {  	_ = 	snop  }
0x189: {  	[tilespmem:s9], [sflag:$0x2] =	stream.indirect_vreg.gather [hbm4b:s4+s3], $0x80, v3, vm0, $0xb8;
	[tilespmem:$0x18200] =	vst v63  }
0x18a: {  	s14 =	simm.s32 $0xB200  }
0x18b: {  	[tilespmem:s14], [sflag:$0x2] =	stream.indirect_vreg.gather [hbm4b:s5+s3], $0x80, v3, vm0, $0xb8;
	[tilespmem:$0x18200] =	vst v63  }
0x18c: {  	s15 =	simm.s32 $0xBA00  }
0x18d: {  	[tilespmem:s15], [sflag:$0x2] =	stream.indirect_vreg.gather [hbm4b:s6+s3], $0x80, v3, vm0, $0xb8;
	[tilespmem:$0x18200] =	vst v63  }
0x18e: {  	v3 =	vld [tilespmem:$0xF0];
	_ =	sdelay $0x4  }
0x18f: {  	v47 =	vshll.u32 v3, $0x3  }
0x190: {  	v3 =	vand.u32 $0x7, v3;
	v4 =	vand.u32 $0xFFFFFFC0, v47  }
0x191: {  	v3 =	vor.u32 v3, v4  }
0x192: {  	v4 =	vperm.xlane v3, v0;
	_ =	sdelay $0x1  }
0x193: {  	v4 =	vadd.s32 v1, v4;
	_ =	sdelay $0x3  }
0x194: {  	s16 =	simm.s32 $0xC200  }
0x195: {  	[tilespmem:s16], [sflag:$0x2] =	stream.indirect_vreg.gather [hbm4b:s1+s3], $0x80, v4, vm0, $0xb8;
	[tilespmem:$0x18200] =	vst v63  }
0x196: {  	s23 =	simm.s32 $0xCA00;
	v3 =	vperm.xlane v3, v2  }
0x197: {  	[tilespmem:s23], [sflag:$0x2] =	stream.indirect_vreg.gather [hbm4b:s4+s3], $0x80, v4, vm0, $0xb8;
	[tilespmem:$0x18200] =	vst v63  }
0x198: {  	s24 =	simm.s32 $0xD200;
	v3 =	vadd.s32 v1, v3  }
0x199: {  	[tilespmem:s24], [sflag:$0x2] =	stream.indirect_vreg.gather [hbm4b:s5+s3], $0x80, v4, vm0, $0xb8;
	[tilespmem:$0x18200] =	vst v63  }
0x19a: {  	s25 =	simm.s32 $0xDA00  }
0x19b: {  	[tilespmem:s25], [sflag:$0x2] =	stream.indirect_vreg.gather [hbm4b:s6+s3], $0x80, v4, vm0, $0xb8;
	[tilespmem:$0x18200] =	vst v63  }
0x19c: {  	s9 =	simm.s32 $0xE200  }
0x19d: {  	[tilespmem:s9], [sflag:$0x2] =	stream.indirect_vreg.gather [hbm4b:s1+s3], $0x80, v3, vm0, $0xb8;
	[tilespmem:$0x18200] =	vst v63  }
0x19e: {  	s13 =	simm.s32 $0xEA00  }
0x19f: {  	[tilespmem:s13], [sflag:$0x2] =	stream.indirect_vreg.gather [hbm4b:s4+s3], $0x80, v3, vm0, $0xb8;
	[tilespmem:$0x18200] =	vst v63  }
0x1a0: {  	s14 =	simm.s32 $0xF200  }
0x1a1: {  	[tilespmem:s14], [sflag:$0x2] =	stream.indirect_vreg.gather [hbm4b:s5+s3], $0x80, v3, vm0, $0xb8;
	[tilespmem:$0x18200] =	vst v63  }
0x1a2: {  	s13 =	simm.s32 $0xFA00  }
0x1a3: {  	[tilespmem:s13], [sflag:$0x2] =	stream.indirect_vreg.gather [hbm4b:s6+s3], $0x80, v3, vm0, $0xb8;
	[tilespmem:$0x18200] =	vst v63  }
0x1a4: {  	s15 =	rddreg [dreg:$0xa];
	s16 =	simm.s32 $0x10200  }
0x1a5: {  	[hbm4b:s15+s3] =	stream.linear.scatter [tilespmem:s16], [sflag:$0x4], $0x8000, $0x38;
	[tilespmem:$0x18200] =	vst v63  }
0x1a6: {  	_ =	swait.ge [sflag:s8], $0x8000  }
0x1a7: {  	[sflag:s8] =	ssyncset.done $0x0  }
0x1a8: {  	[sflag:s8] =	ssyncadd.s32 $0xFFFF8000  }
0x1a9: {  	_ =	swait.ge [sflag:s28], $0x8000  }
0x1aa: {  	[sflag:s28] =	ssyncset.done $0x0  }
0x1ab: {  	[sflag:s28] =	ssyncadd.s32 $0xFFFF8000  }
0x1ac: {  	v3 =	vld [tilespmem:$0x100];
	_ =	sdelay $0x4  }
0x1ad: {  	v48 =	vshll.u32 v3, $0x3  }
0x1ae: {  	v3 =	vand.u32 $0x7, v3;
	v4 =	vand.u32 $0xFFFFFFC0, v48  }
0x1af: {  	v3 =	vor.u32 v3, v4  }
0x1b0: {  	v4 =	vperm.xlane v3, v0;
	_ =	sdelay $0x1  }
0x1b1: {  	v4 =	vadd.s32 v1, v4;
	_ =	sdelay $0x4  }
0x1b2: {  	[tilespmem:s16], [sflag:$0x3] =	stream.indirect_vreg.gather [hbm4b:s1+s3], $0x80, v4, vm0, $0xb8;
	[tilespmem:$0x18200] =	vst v63  }
0x1b3: {  	s23 =	simm.s32 $0x10A00;
	v3 =	vperm.xlane v3, v2  }
0x1b4: {  	[tilespmem:s23], [sflag:$0x3] =	stream.indirect_vreg.gather [hbm4b:s4+s3], $0x80, v4, vm0, $0xb8;
	[tilespmem:$0x18200] =	vst v63  }
0x1b5: {  	v3 =	vadd.s32 v1, v3  }
0x1b6: {  	[tilespmem:s0], [sflag:$0x3] =	stream.indirect_vreg.gather [hbm4b:s5+s3], $0x80, v4, vm0, $0xb8;
	[tilespmem:$0x18200] =	vst v63  }
0x1b7: {  	_ = 	snop  }
0x1b8: {  	[tilespmem:s17], [sflag:$0x3] =	stream.indirect_vreg.gather [hbm4b:s6+s3], $0x80, v4, vm0, $0xb8;
	[tilespmem:$0x18200] =	vst v63  }
0x1b9: {  	_ = 	snop  }
0x1ba: {  	[tilespmem:s18], [sflag:$0x3] =	stream.indirect_vreg.gather [hbm4b:s1+s3], $0x80, v3, vm0, $0xb8;
	[tilespmem:$0x18200] =	vst v63  }
0x1bb: {  	_ = 	snop  }
0x1bc: {  	[tilespmem:s19], [sflag:$0x3] =	stream.indirect_vreg.gather [hbm4b:s4+s3], $0x80, v3, vm0, $0xb8;
	[tilespmem:$0x18200] =	vst v63  }
0x1bd: {  	_ = 	snop  }
0x1be: {  	[tilespmem:s20], [sflag:$0x3] =	stream.indirect_vreg.gather [hbm4b:s5+s3], $0x80, v3, vm0, $0xb8;
	[tilespmem:$0x18200] =	vst v63  }
0x1bf: {  	s0 =	simm.s32 $0x13A00  }
0x1c0: {  	[tilespmem:s0], [sflag:$0x3] =	stream.indirect_vreg.gather [hbm4b:s6+s3], $0x80, v3, vm0, $0xb8;
	[tilespmem:$0x18200] =	vst v63  }
0x1c1: {  	v3 =	vld [tilespmem:$0x110];
	_ =	sdelay $0x4  }
0x1c2: {  	v49 =	vshll.u32 v3, $0x3  }
0x1c3: {  	v3 =	vand.u32 $0x7, v3;
	v4 =	vand.u32 $0xFFFFFFC0, v49  }
0x1c4: {  	v3 =	vor.u32 v3, v4  }
0x1c5: {  	v4 =	vperm.xlane v3, v0;
	_ =	sdelay $0x1  }
0x1c6: {  	v4 =	vadd.s32 v1, v4;
	_ =	sdelay $0x3  }
0x1c7: {  	s24 =	simm.s32 $0x14200  }
0x1c8: {  	[tilespmem:s24], [sflag:$0x3] =	stream.indirect_vreg.gather [hbm4b:s1+s3], $0x80, v4, vm0, $0xb8;
	[tilespmem:$0x18200] =	vst v63  }
0x1c9: {  	s25 =	simm.s32 $0x14A00;
	v3 =	vperm.xlane v3, v2  }
0x1ca: {  	[tilespmem:s25], [sflag:$0x3] =	stream.indirect_vreg.gather [hbm4b:s4+s3], $0x80, v4, vm0, $0xb8;
	[tilespmem:$0x18200] =	vst v63  }
0x1cb: {  	v3 =	vadd.s32 v1, v3  }
0x1cc: {  	[tilespmem:s21], [sflag:$0x3] =	stream.indirect_vreg.gather [hbm4b:s5+s3], $0x80, v4, vm0, $0xb8;
	[tilespmem:$0x18200] =	vst v63  }
0x1cd: {  	_ = 	snop  }
0x1ce: {  	[tilespmem:s22], [sflag:$0x3] =	stream.indirect_vreg.gather [hbm4b:s6+s3], $0x80, v4, vm0, $0xb8;
	[tilespmem:$0x18200] =	vst v63  }
0x1cf: {  	_ = 	snop  }
0x1d0: {  	[tilespmem:s26], [sflag:$0x3] =	stream.indirect_vreg.gather [hbm4b:s1+s3], $0x80, v3, vm0, $0xb8;
	[tilespmem:$0x18200] =	vst v63  }
0x1d1: {  	_ = 	snop  }
0x1d2: {  	[tilespmem:s29], [sflag:$0x3] =	stream.indirect_vreg.gather [hbm4b:s4+s3], $0x80, v3, vm0, $0xb8;
	[tilespmem:$0x18200] =	vst v63  }
0x1d3: {  	s18 =	simm.s32 $0x17200  }
0x1d4: {  	[tilespmem:s18], [sflag:$0x3] =	stream.indirect_vreg.gather [hbm4b:s5+s3], $0x80, v3, vm0, $0xb8;
	[tilespmem:$0x18200] =	vst v63  }
0x1d5: {  	s21 =	simm.s32 $0x17A00  }
0x1d6: {  	[tilespmem:s21], [sflag:$0x3] =	stream.indirect_vreg.gather [hbm4b:s6+s3], $0x80, v3, vm0, $0xb8;
	[tilespmem:$0x18200] =	vst v63  }
0x1d7: {  	s19 =	rddreg [dreg:$0xb];
	s20 =	simm.s32 $0x200  }
0x1d8: {  	[hbm4b:s19+s3] =	stream.linear.scatter [tilespmem:s20], [sflag:$0x4], $0x8000, $0x38;
	[tilespmem:$0x18200] =	vst v63  }
0x1d9: {  	_ =	swait.ge [sflag:s8], $0x8000  }
0x1da: {  	[sflag:s8] =	ssyncset.done $0x0  }
0x1db: {  	[sflag:s8] =	ssyncadd.s32 $0xFFFF8000  }
0x1dc: {  	_ =	swait.ge [sflag:s30], $0x8000  }
0x1dd: {  	[sflag:s30] =	ssyncset.done $0x0  }
0x1de: {  	[sflag:s30] =	ssyncadd.s32 $0xFFFF8000  }
0x1df: {  	v3 =	vld [tilespmem:$0x120];
	_ =	sdelay $0x4  }
0x1e0: {  	v50 =	vshll.u32 v3, $0x3  }
0x1e1: {  	v3 =	vand.u32 $0x7, v3;
	v4 =	vand.u32 $0xFFFFFFC0, v50  }
0x1e2: {  	v3 =	vor.u32 v3, v4  }
0x1e3: {  	v4 =	vperm.xlane v3, v0;
	_ =	sdelay $0x1  }
0x1e4: {  	v4 =	vadd.s32 v1, v4;
	_ =	sdelay $0x4  }
0x1e5: {  	[tilespmem:s20], [sflag:$0x1] =	stream.indirect_vreg.gather [hbm4b:s1+s3], $0x80, v4, vm0, $0xb8;
	[tilespmem:$0x18200] =	vst v63  }
0x1e6: {  	v3 =	vperm.xlane v3, v2;
	s20 =	simm.s32 $0xA00  }
0x1e7: {  	[tilespmem:s20], [sflag:$0x1] =	stream.indirect_vreg.gather [hbm4b:s4+s3], $0x80, v4, vm0, $0xb8;
	[tilespmem:$0x18200] =	vst v63  }
0x1e8: {  	s22 =	simm.s32 $0x1200;
	v3 =	vadd.s32 v1, v3  }
0x1e9: {  	[tilespmem:s22], [sflag:$0x1] =	stream.indirect_vreg.gather [hbm4b:s5+s3], $0x80, v4, vm0, $0xb8;
	[tilespmem:$0x18200] =	vst v63  }
0x1ea: {  	s14 =	simm.s32 $0x1A00  }
0x1eb: {  	[tilespmem:s14], [sflag:$0x1] =	stream.indirect_vreg.gather [hbm4b:s6+s3], $0x80, v4, vm0, $0xb8;
	[tilespmem:$0x18200] =	vst v63  }
0x1ec: {  	s15 =	simm.s32 $0x2200  }
0x1ed: {  	[tilespmem:s15], [sflag:$0x1] =	stream.indirect_vreg.gather [hbm4b:s1+s3], $0x80, v3, vm0, $0xb8;
	[tilespmem:$0x18200] =	vst v63  }
0x1ee: {  	s16 =	simm.s32 $0x2A00  }
0x1ef: {  	[tilespmem:s16], [sflag:$0x1] =	stream.indirect_vreg.gather [hbm4b:s4+s3], $0x80, v3, vm0, $0xb8;
	[tilespmem:$0x18200] =	vst v63  }
0x1f0: {  	s17 =	simm.s32 $0x3200  }
0x1f1: {  	[tilespmem:s17], [sflag:$0x1] =	stream.indirect_vreg.gather [hbm4b:s5+s3], $0x80, v3, vm0, $0xb8;
	[tilespmem:$0x18200] =	vst v63  }
0x1f2: {  	_ = 	snop  }
0x1f3: {  	[tilespmem:s10], [sflag:$0x1] =	stream.indirect_vreg.gather [hbm4b:s6+s3], $0x80, v3, vm0, $0xb8;
	[tilespmem:$0x18200] =	vst v63  }
0x1f4: {  	v3 =	vld [tilespmem:$0x130];
	_ =	sdelay $0x4  }
0x1f5: {  	v51 =	vshll.u32 v3, $0x3  }
0x1f6: {  	v3 =	vand.u32 $0x7, v3;
	v4 =	vand.u32 $0xFFFFFFC0, v51  }
0x1f7: {  	v3 =	vor.u32 v3, v4  }
0x1f8: {  	v4 =	vperm.xlane v3, v0;
	_ =	sdelay $0x1  }
0x1f9: {  	v4 =	vadd.s32 v1, v4;
	_ =	sdelay $0x4  }
0x1fa: {  	[tilespmem:s11], [sflag:$0x1] =	stream.indirect_vreg.gather [hbm4b:s1+s3], $0x80, v4, vm0, $0xb8;
	[tilespmem:$0x18200] =	vst v63  }
0x1fb: {  	v3 =	vperm.xlane v3, v2  }
0x1fc: {  	[tilespmem:s7], [sflag:$0x1] =	stream.indirect_vreg.gather [hbm4b:s4+s3], $0x80, v4, vm0, $0xb8;
	[tilespmem:$0x18200] =	vst v63  }
0x1fd: {  	s26 =	simm.s32 $0x5200;
	v3 =	vadd.s32 v1, v3  }
0x1fe: {  	[tilespmem:s26], [sflag:$0x1] =	stream.indirect_vreg.gather [hbm4b:s5+s3], $0x80, v4, vm0, $0xb8;
	[tilespmem:$0x18200] =	vst v63  }
0x1ff: {  	s10 =	simm.s32 $0x5A00  }
0x200: {  	[tilespmem:s10], [sflag:$0x1] =	stream.indirect_vreg.gather [hbm4b:s6+s3], $0x80, v4, vm0, $0xb8;
	[tilespmem:$0x18200] =	vst v63  }
0x201: {  	s11 =	simm.s32 $0x6200  }
0x202: {  	[tilespmem:s11], [sflag:$0x1] =	stream.indirect_vreg.gather [hbm4b:s1+s3], $0x80, v3, vm0, $0xb8;
	[tilespmem:$0x18200] =	vst v63  }
0x203: {  	s18 =	simm.s32 $0x6A00  }
0x204: {  	[tilespmem:s18], [sflag:$0x1] =	stream.indirect_vreg.gather [hbm4b:s4+s3], $0x80, v3, vm0, $0xb8;
	[tilespmem:$0x18200] =	vst v63  }
0x205: {  	s19 =	simm.s32 $0x7200  }
0x206: {  	[tilespmem:s19], [sflag:$0x1] =	stream.indirect_vreg.gather [hbm4b:s5+s3], $0x80, v3, vm0, $0xb8;
	[tilespmem:$0x18200] =	vst v63  }
0x207: {  	_ = 	snop  }
0x208: {  	[tilespmem:s12], [sflag:$0x1] =	stream.indirect_vreg.gather [hbm4b:s6+s3], $0x80, v3, vm0, $0xb8;
	[tilespmem:$0x18200] =	vst v63  }
0x209: {  	s29 =	rddreg [dreg:$0xc];
	s7 =	simm.s32 $0x8200  }
0x20a: {  	[hbm4b:s29+s3] =	stream.linear.scatter [tilespmem:s7], [sflag:$0x4], $0x8000, $0x38;
	[tilespmem:$0x18200] =	vst v63  }
0x20b: {  	_ =	swait.ge [sflag:s8], $0x8000  }
0x20c: {  	[sflag:s8] =	ssyncset.done $0x0  }
0x20d: {  	[sflag:s8] =	ssyncadd.s32 $0xFFFF8000  }
0x20e: {  	_ =	swait.ge [sflag:s31], $0x8000  }
0x20f: {  	[sflag:s31] =	ssyncset.done $0x0  }
0x210: {  	[sflag:s31] =	ssyncadd.s32 $0xFFFF8000  }
0x211: {  	v3 =	vld [tilespmem:$0x140];
	_ =	sdelay $0x4  }
0x212: {  	v52 =	vshll.u32 v3, $0x3  }
0x213: {  	v3 =	vand.u32 $0x7, v3;
	v4 =	vand.u32 $0xFFFFFFC0, v52  }
0x214: {  	v3 =	vor.u32 v3, v4  }
0x215: {  	v4 =	vperm.xlane v3, v0;
	_ =	sdelay $0x1  }
0x216: {  	v4 =	vadd.s32 v1, v4;
	_ =	sdelay $0x4  }
0x217: {  	[tilespmem:s7], [sflag:$0x2] =	stream.indirect_vreg.gather [hbm4b:s1+s3], $0x80, v4, vm0, $0xb8;
	[tilespmem:$0x18200] =	vst v63  }
0x218: {  	s9 =	simm.s32 $0x8A00;
	v3 =	vperm.xlane v3, v2  }
0x219: {  	[tilespmem:s9], [sflag:$0x2] =	stream.indirect_vreg.gather [hbm4b:s4+s3], $0x80, v4, vm0, $0xb8;
	[tilespmem:$0x18200] =	vst v63  }
0x21a: {  	s12 =	simm.s32 $0x9200;
	v3 =	vadd.s32 v1, v3  }
0x21b: {  	[tilespmem:s12], [sflag:$0x2] =	stream.indirect_vreg.gather [hbm4b:s5+s3], $0x80, v4, vm0, $0xb8;
	[tilespmem:$0x18200] =	vst v63  }
0x21c: {  	s22 =	simm.s32 $0x9A00  }
0x21d: {  	[tilespmem:s22], [sflag:$0x2] =	stream.indirect_vreg.gather [hbm4b:s6+s3], $0x80, v4, vm0, $0xb8;
	[tilespmem:$0x18200] =	vst v63  }
0x21e: {  	s26 =	simm.s32 $0xA200  }
0x21f: {  	[tilespmem:s26], [sflag:$0x2] =	stream.indirect_vreg.gather [hbm4b:s1+s3], $0x80, v3, vm0, $0xb8;
	[tilespmem:$0x18200] =	vst v63  }
0x220: {  	s9 =	simm.s32 $0xAA00  }
0x221: {  	[tilespmem:s9], [sflag:$0x2] =	stream.indirect_vreg.gather [hbm4b:s4+s3], $0x80, v3, vm0, $0xb8;
	[tilespmem:$0x18200] =	vst v63  }
0x222: {  	s29 =	simm.s32 $0xB200  }
0x223: {  	[tilespmem:s29], [sflag:$0x2] =	stream.indirect_vreg.gather [hbm4b:s5+s3], $0x80, v3, vm0, $0xb8;
	[tilespmem:$0x18200] =	vst v63  }
0x224: {  	s7 =	simm.s32 $0xBA00  }
0x225: {  	[tilespmem:s7], [sflag:$0x2] =	stream.indirect_vreg.gather [hbm4b:s6+s3], $0x80, v3, vm0, $0xb8;
	[tilespmem:$0x18200] =	vst v63  }
0x226: {  	v3 =	vld [tilespmem:$0x150];
	_ =	sdelay $0x4  }
0x227: {  	v53 =	vshll.u32 v3, $0x3  }
0x228: {  	v3 =	vand.u32 $0x7, v3;
	v4 =	vand.u32 $0xFFFFFFC0, v53  }
0x229: {  	v3 =	vor.u32 v3, v4  }
0x22a: {  	v4 =	vperm.xlane v3, v0;
	_ =	sdelay $0x1  }
0x22b: {  	v4 =	vadd.s32 v1, v4;
	_ =	sdelay $0x3  }
0x22c: {  	s12 =	simm.s32 $0xC200  }
0x22d: {  	[tilespmem:s12], [sflag:$0x2] =	stream.indirect_vreg.gather [hbm4b:s1+s3], $0x80, v4, vm0, $0xb8;
	[tilespmem:$0x18200] =	vst v63  }
0x22e: {  	s22 =	simm.s32 $0xCA00;
	v3 =	vperm.xlane v3, v2  }
0x22f: {  	[tilespmem:s22], [sflag:$0x2] =	stream.indirect_vreg.gather [hbm4b:s4+s3], $0x80, v4, vm0, $0xb8;
	[tilespmem:$0x18200] =	vst v63  }
0x230: {  	s26 =	simm.s32 $0xD200;
	v3 =	vadd.s32 v1, v3  }
0x231: {  	[tilespmem:s26], [sflag:$0x2] =	stream.indirect_vreg.gather [hbm4b:s5+s3], $0x80, v4, vm0, $0xb8;
	[tilespmem:$0x18200] =	vst v63  }
0x232: {  	s29 =	simm.s32 $0xDA00  }
0x233: {  	[tilespmem:s29], [sflag:$0x2] =	stream.indirect_vreg.gather [hbm4b:s6+s3], $0x80, v4, vm0, $0xb8;
	[tilespmem:$0x18200] =	vst v63  }
0x234: {  	s7 =	simm.s32 $0xE200  }
0x235: {  	[tilespmem:s7], [sflag:$0x2] =	stream.indirect_vreg.gather [hbm4b:s1+s3], $0x80, v3, vm0, $0xb8;
	[tilespmem:$0x18200] =	vst v63  }
0x236: {  	s12 =	simm.s32 $0xEA00  }
0x237: {  	[tilespmem:s12], [sflag:$0x2] =	stream.indirect_vreg.gather [hbm4b:s4+s3], $0x80, v3, vm0, $0xb8;
	[tilespmem:$0x18200] =	vst v63  }
0x238: {  	s22 =	simm.s32 $0xF200  }
0x239: {  	[tilespmem:s22], [sflag:$0x2] =	stream.indirect_vreg.gather [hbm4b:s5+s3], $0x80, v3, vm0, $0xb8;
	[tilespmem:$0x18200] =	vst v63  }
0x23a: {  	_ = 	snop  }
0x23b: {  	[tilespmem:s13], [sflag:$0x2] =	stream.indirect_vreg.gather [hbm4b:s6+s3], $0x80, v3, vm0, $0xb8;
	[tilespmem:$0x18200] =	vst v63  }
0x23c: {  	s26 =	rddreg [dreg:$0xd];
	s29 =	simm.s32 $0x10200  }
0x23d: {  	[hbm4b:s26+s3] =	stream.linear.scatter [tilespmem:s29], [sflag:$0x4], $0x8000, $0x38;
	[tilespmem:$0x18200] =	vst v63  }
0x23e: {  	_ =	swait.ge [sflag:s8], $0x8000  }
0x23f: {  	[sflag:s8] =	ssyncset.done $0x0  }
0x240: {  	[sflag:s8] =	ssyncadd.s32 $0xFFFF8000  }
0x241: {  	_ =	swait.ge [sflag:s28], $0x8000  }
0x242: {  	[sflag:s28] =	ssyncset.done $0x0  }
0x243: {  	[sflag:s28] =	ssyncadd.s32 $0xFFFF8000  }
0x244: {  	v3 =	vld [tilespmem:$0x160];
	_ =	sdelay $0x4  }
0x245: {  	v54 =	vshll.u32 v3, $0x3  }
0x246: {  	v3 =	vand.u32 $0x7, v3;
	v4 =	vand.u32 $0xFFFFFFC0, v54  }
0x247: {  	v3 =	vor.u32 v3, v4  }
0x248: {  	v4 =	vperm.xlane v3, v0;
	_ =	sdelay $0x1  }
0x249: {  	v4 =	vadd.s32 v1, v4;
	_ =	sdelay $0x4  }
0x24a: {  	[tilespmem:s29], [sflag:$0x3] =	stream.indirect_vreg.gather [hbm4b:s1+s3], $0x80, v4, vm0, $0xb8;
	[tilespmem:$0x18200] =	vst v63  }
0x24b: {  	v3 =	vperm.xlane v3, v2  }
0x24c: {  	[tilespmem:s23], [sflag:$0x3] =	stream.indirect_vreg.gather [hbm4b:s4+s3], $0x80, v4, vm0, $0xb8;
	[tilespmem:$0x18200] =	vst v63  }
0x24d: {  	s12 =	simm.s32 $0x11200;
	v3 =	vadd.s32 v1, v3  }
0x24e: {  	[tilespmem:s12], [sflag:$0x3] =	stream.indirect_vreg.gather [hbm4b:s5+s3], $0x80, v4, vm0, $0xb8;
	[tilespmem:$0x18200] =	vst v63  }
0x24f: {  	s13 =	simm.s32 $0x11A00  }
0x250: {  	[tilespmem:s13], [sflag:$0x3] =	stream.indirect_vreg.gather [hbm4b:s6+s3], $0x80, v4, vm0, $0xb8;
	[tilespmem:$0x18200] =	vst v63  }
0x251: {  	s22 =	simm.s32 $0x12200  }
0x252: {  	[tilespmem:s22], [sflag:$0x3] =	stream.indirect_vreg.gather [hbm4b:s1+s3], $0x80, v3, vm0, $0xb8;
	[tilespmem:$0x18200] =	vst v63  }
0x253: {  	s23 =	simm.s32 $0x12A00  }
0x254: {  	[tilespmem:s23], [sflag:$0x3] =	stream.indirect_vreg.gather [hbm4b:s4+s3], $0x80, v3, vm0, $0xb8;
	[tilespmem:$0x18200] =	vst v63  }
0x255: {  	s26 =	simm.s32 $0x13200  }
0x256: {  	[tilespmem:s26], [sflag:$0x3] =	stream.indirect_vreg.gather [hbm4b:s5+s3], $0x80, v3, vm0, $0xb8;
	[tilespmem:$0x18200] =	vst v63  }
0x257: {  	_ = 	snop  }
0x258: {  	[tilespmem:s0], [sflag:$0x3] =	stream.indirect_vreg.gather [hbm4b:s6+s3], $0x80, v3, vm0, $0xb8;
	[tilespmem:$0x18200] =	vst v63  }
0x259: {  	v3 =	vld [tilespmem:$0x170];
	_ =	sdelay $0x4  }
0x25a: {  	v55 =	vshll.u32 v3, $0x3  }
0x25b: {  	v3 =	vand.u32 $0x7, v3;
	v4 =	vand.u32 $0xFFFFFFC0, v55  }
0x25c: {  	v3 =	vor.u32 v3, v4  }
0x25d: {  	v4 =	vperm.xlane v3, v0;
	_ =	sdelay $0x1  }
0x25e: {  	v4 =	vadd.s32 v1, v4;
	_ =	sdelay $0x4  }
0x25f: {  	[tilespmem:s24], [sflag:$0x3] =	stream.indirect_vreg.gather [hbm4b:s1+s3], $0x80, v4, vm0, $0xb8;
	[tilespmem:$0x18200] =	vst v63  }
0x260: {  	v3 =	vperm.xlane v3, v2  }
0x261: {  	[tilespmem:s25], [sflag:$0x3] =	stream.indirect_vreg.gather [hbm4b:s4+s3], $0x80, v4, vm0, $0xb8;
	[tilespmem:$0x18200] =	vst v63  }
0x262: {  	v3 =	vadd.s32 v1, v3;
	s24 =	simm.s32 $0x15200  }
0x263: {  	[tilespmem:s24], [sflag:$0x3] =	stream.indirect_vreg.gather [hbm4b:s5+s3], $0x80, v4, vm0, $0xb8;
	[tilespmem:$0x18200] =	vst v63  }
0x264: {  	s25 =	simm.s32 $0x15A00  }
0x265: {  	[tilespmem:s25], [sflag:$0x3] =	stream.indirect_vreg.gather [hbm4b:s6+s3], $0x80, v4, vm0, $0xb8;
	[tilespmem:$0x18200] =	vst v63  }
0x266: {  	s29 =	simm.s32 $0x16200  }
0x267: {  	[tilespmem:s29], [sflag:$0x3] =	stream.indirect_vreg.gather [hbm4b:s1+s3], $0x80, v3, vm0, $0xb8;
	[tilespmem:$0x18200] =	vst v63  }
0x268: {  	s2 =	simm.s32 $0x16A00  }
0x269: {  	[tilespmem:s2], [sflag:$0x3] =	stream.indirect_vreg.gather [hbm4b:s4+s3], $0x80, v3, vm0, $0xb8;
	[tilespmem:$0x18200] =	vst v63  }
0x26a: {  	s7 =	simm.s32 $0x17200  }
0x26b: {  	[tilespmem:s7], [sflag:$0x3] =	stream.indirect_vreg.gather [hbm4b:s5+s3], $0x80, v3, vm0, $0xb8;
	[tilespmem:$0x18200] =	vst v63  }
0x26c: {  	_ = 	snop  }
0x26d: {  	[tilespmem:s21], [sflag:$0x3] =	stream.indirect_vreg.gather [hbm4b:s6+s3], $0x80, v3, vm0, $0xb8;
	[tilespmem:$0x18200] =	vst v63  }
0x26e: {  	s0 =	rddreg [dreg:$0xe];
	s7 =	simm.s32 $0x200  }
0x26f: {  	[hbm4b:s0+s3] =	stream.linear.scatter [tilespmem:s7], [sflag:$0x4], $0x8000, $0x38;
	[tilespmem:$0x18200] =	vst v63  }
0x270: {  	_ =	swait.ge [sflag:s8], $0x8000  }
0x271: {  	[sflag:s8] =	ssyncset.done $0x0  }
0x272: {  	[sflag:s8] =	ssyncadd.s32 $0xFFFF8000  }
0x273: {  	_ =	swait.ge [sflag:s30], $0x8000  }
0x274: {  	[sflag:s30] =	ssyncset.done $0x0  }
0x275: {  	[sflag:s30] =	ssyncadd.s32 $0xFFFF8000  }
0x276: {  	v3 =	vld [tilespmem:$0x180];
	_ =	sdelay $0x4  }
0x277: {  	v56 =	vshll.u32 v3, $0x3  }
0x278: {  	v3 =	vand.u32 $0x7, v3;
	v4 =	vand.u32 $0xFFFFFFC0, v56  }
0x279: {  	v3 =	vor.u32 v3, v4  }
0x27a: {  	v4 =	vperm.xlane v3, v0;
	_ =	sdelay $0x1  }
0x27b: {  	v4 =	vadd.s32 v1, v4;
	_ =	sdelay $0x4  }
0x27c: {  	[tilespmem:s7], [sflag:$0x1] =	stream.indirect_vreg.gather [hbm4b:s1+s3], $0x80, v4, vm0, $0xb8;
	[tilespmem:$0x18200] =	vst v63  }
0x27d: {  	v3 =	vperm.xlane v3, v2  }
0x27e: {  	[tilespmem:s20], [sflag:$0x1] =	stream.indirect_vreg.gather [hbm4b:s4+s3], $0x80, v4, vm0, $0xb8;
	[tilespmem:$0x18200] =	vst v63  }
0x27f: {  	s2 =	simm.s32 $0x1200;
	v3 =	vadd.s32 v1, v3  }
0x280: {  	[tilespmem:s2], [sflag:$0x1] =	stream.indirect_vreg.gather [hbm4b:s5+s3], $0x80, v4, vm0, $0xb8;
	[tilespmem:$0x18200] =	vst v63  }
0x281: {  	_ = 	snop  }
0x282: {  	[tilespmem:s14], [sflag:$0x1] =	stream.indirect_vreg.gather [hbm4b:s6+s3], $0x80, v4, vm0, $0xb8;
	[tilespmem:$0x18200] =	vst v63  }
0x283: {  	_ = 	snop  }
0x284: {  	[tilespmem:s15], [sflag:$0x1] =	stream.indirect_vreg.gather [hbm4b:s1+s3], $0x80, v3, vm0, $0xb8;
	[tilespmem:$0x18200] =	vst v63  }
0x285: {  	_ = 	snop  }
0x286: {  	[tilespmem:s16], [sflag:$0x1] =	stream.indirect_vreg.gather [hbm4b:s4+s3], $0x80, v3, vm0, $0xb8;
	[tilespmem:$0x18200] =	vst v63  }
0x287: {  	_ = 	snop  }
0x288: {  	[tilespmem:s17], [sflag:$0x1] =	stream.indirect_vreg.gather [hbm4b:s5+s3], $0x80, v3, vm0, $0xb8;
	[tilespmem:$0x18200] =	vst v63  }
0x289: {  	s2 =	simm.s32 $0x3A00  }
0x28a: {  	[tilespmem:s2], [sflag:$0x1] =	stream.indirect_vreg.gather [hbm4b:s6+s3], $0x80, v3, vm0, $0xb8;
	[tilespmem:$0x18200] =	vst v63  }
0x28b: {  	v3 =	vld [tilespmem:$0x190];
	_ =	sdelay $0x4  }
0x28c: {  	v57 =	vshll.u32 v3, $0x3  }
0x28d: {  	v3 =	vand.u32 $0x7, v3;
	v4 =	vand.u32 $0xFFFFFFC0, v57  }
0x28e: {  	v3 =	vor.u32 v3, v4  }
0x28f: {  	v4 =	vperm.xlane v3, v0;
	_ =	sdelay $0x1  }
0x290: {  	v4 =	vadd.s32 v1, v4;
	_ =	sdelay $0x3  }
0x291: {  	s2 =	simm.s32 $0x4200  }
0x292: {  	[tilespmem:s2], [sflag:$0x1] =	stream.indirect_vreg.gather [hbm4b:s1+s3], $0x80, v4, vm0, $0xb8;
	[tilespmem:$0x18200] =	vst v63  }
0x293: {  	v3 =	vperm.xlane v3, v2;
	s2 =	simm.s32 $0x4A00  }
0x294: {  	[tilespmem:s2], [sflag:$0x1] =	stream.indirect_vreg.gather [hbm4b:s4+s3], $0x80, v4, vm0, $0xb8;
	[tilespmem:$0x18200] =	vst v63  }
0x295: {  	v3 =	vadd.s32 v1, v3;
	s2 =	simm.s32 $0x5200  }
0x296: {  	[tilespmem:s2], [sflag:$0x1] =	stream.indirect_vreg.gather [hbm4b:s5+s3], $0x80, v4, vm0, $0xb8;
	[tilespmem:$0x18200] =	vst v63  }
0x297: {  	_ = 	snop  }
0x298: {  	[tilespmem:s10], [sflag:$0x1] =	stream.indirect_vreg.gather [hbm4b:s6+s3], $0x80, v4, vm0, $0xb8;
	[tilespmem:$0x18200] =	vst v63  }
0x299: {  	_ = 	snop  }
0x29a: {  	[tilespmem:s11], [sflag:$0x1] =	stream.indirect_vreg.gather [hbm4b:s1+s3], $0x80, v3, vm0, $0xb8;
	[tilespmem:$0x18200] =	vst v63  }
0x29b: {  	_ = 	snop  }
0x29c: {  	[tilespmem:s18], [sflag:$0x1] =	stream.indirect_vreg.gather [hbm4b:s4+s3], $0x80, v3, vm0, $0xb8;
	[tilespmem:$0x18200] =	vst v63  }
0x29d: {  	_ = 	snop  }
0x29e: {  	[tilespmem:s19], [sflag:$0x1] =	stream.indirect_vreg.gather [hbm4b:s5+s3], $0x80, v3, vm0, $0xb8;
	[tilespmem:$0x18200] =	vst v63  }
0x29f: {  	s10 =	simm.s32 $0x7A00  }
0x2a0: {  	[tilespmem:s10], [sflag:$0x1] =	stream.indirect_vreg.gather [hbm4b:s6+s3], $0x80, v3, vm0, $0xb8;
	[tilespmem:$0x18200] =	vst v63  }
0x2a1: {  	s2 =	rddreg [dreg:$0xf];
	s10 =	simm.s32 $0x8200  }
0x2a2: {  	[hbm4b:s2+s3] =	stream.linear.scatter [tilespmem:s10], [sflag:$0x4], $0x8000, $0x38;
	[tilespmem:$0x18200] =	vst v63  }
0x2a3: {  	_ =	swait.ge [sflag:s8], $0x8000  }
0x2a4: {  	[sflag:s8] =	ssyncset.done $0x0  }
0x2a5: {  	[sflag:s8] =	ssyncadd.s32 $0xFFFF8000  }
0x2a6: {  	_ =	swait.ge [sflag:s31], $0x8000  }
0x2a7: {  	[sflag:s31] =	ssyncset.done $0x0  }
0x2a8: {  	[sflag:s31] =	ssyncadd.s32 $0xFFFF8000  }
0x2a9: {  	v3 =	vld [tilespmem:$0x1A0];
	_ =	sdelay $0x4  }
0x2aa: {  	v58 =	vshll.u32 v3, $0x3  }
0x2ab: {  	v3 =	vand.u32 $0x7, v3;
	v4 =	vand.u32 $0xFFFFFFC0, v58  }
0x2ac: {  	v3 =	vor.u32 v3, v4  }
0x2ad: {  	v4 =	vperm.xlane v3, v0;
	_ =	sdelay $0x1  }
0x2ae: {  	v4 =	vadd.s32 v1, v4;
	_ =	sdelay $0x4  }
0x2af: {  	[tilespmem:s10], [sflag:$0x2] =	stream.indirect_vreg.gather [hbm4b:s1+s3], $0x80, v4, vm0, $0xb8;
	[tilespmem:$0x18200] =	vst v63  }
0x2b0: {  	s2 =	simm.s32 $0x8A00;
	v3 =	vperm.xlane v3, v2  }
0x2b1: {  	[tilespmem:s2], [sflag:$0x2] =	stream.indirect_vreg.gather [hbm4b:s4+s3], $0x80, v4, vm0, $0xb8;
	[tilespmem:$0x18200] =	vst v63  }
0x2b2: {  	v3 =	vadd.s32 v1, v3;
	s2 =	simm.s32 $0x9200  }
0x2b3: {  	[tilespmem:s2], [sflag:$0x2] =	stream.indirect_vreg.gather [hbm4b:s5+s3], $0x80, v4, vm0, $0xb8;
	[tilespmem:$0x18200] =	vst v63  }
0x2b4: {  	s2 =	simm.s32 $0x9A00  }
0x2b5: {  	[tilespmem:s2], [sflag:$0x2] =	stream.indirect_vreg.gather [hbm4b:s6+s3], $0x80, v4, vm0, $0xb8;
	[tilespmem:$0x18200] =	vst v63  }
0x2b6: {  	s2 =	simm.s32 $0xA200  }
0x2b7: {  	[tilespmem:s2], [sflag:$0x2] =	stream.indirect_vreg.gather [hbm4b:s1+s3], $0x80, v3, vm0, $0xb8;
	[tilespmem:$0x18200] =	vst v63  }
0x2b8: {  	_ = 	snop  }
0x2b9: {  	[tilespmem:s9], [sflag:$0x2] =	stream.indirect_vreg.gather [hbm4b:s4+s3], $0x80, v3, vm0, $0xb8;
	[tilespmem:$0x18200] =	vst v63  }
0x2ba: {  	s2 =	simm.s32 $0xB200  }
0x2bb: {  	[tilespmem:s2], [sflag:$0x2] =	stream.indirect_vreg.gather [hbm4b:s5+s3], $0x80, v3, vm0, $0xb8;
	[tilespmem:$0x18200] =	vst v63  }
0x2bc: {  	s9 =	simm.s32 $0xBA00  }
0x2bd: {  	[tilespmem:s9], [sflag:$0x2] =	stream.indirect_vreg.gather [hbm4b:s6+s3], $0x80, v3, vm0, $0xb8;
	[tilespmem:$0x18200] =	vst v63  }
0x2be: {  	v3 =	vld [tilespmem:$0x1B0];
	_ =	sdelay $0x4  }
0x2bf: {  	v59 =	vshll.u32 v3, $0x3  }
0x2c0: {  	v3 =	vand.u32 $0x7, v3;
	v4 =	vand.u32 $0xFFFFFFC0, v59  }
0x2c1: {  	v3 =	vor.u32 v3, v4  }
0x2c2: {  	v4 =	vperm.xlane v3, v0;
	_ =	sdelay $0x1  }
0x2c3: {  	v4 =	vadd.s32 v1, v4;
	_ =	sdelay $0x3  }
0x2c4: {  	s2 =	simm.s32 $0xC200  }
0x2c5: {  	[tilespmem:s2], [sflag:$0x2] =	stream.indirect_vreg.gather [hbm4b:s1+s3], $0x80, v4, vm0, $0xb8;
	[tilespmem:$0x18200] =	vst v63  }
0x2c6: {  	s9 =	simm.s32 $0xCA00;
	v3 =	vperm.xlane v3, v2  }
0x2c7: {  	[tilespmem:s9], [sflag:$0x2] =	stream.indirect_vreg.gather [hbm4b:s4+s3], $0x80, v4, vm0, $0xb8;
	[tilespmem:$0x18200] =	vst v63  }
0x2c8: {  	v3 =	vadd.s32 v1, v3;
	s2 =	simm.s32 $0xD200  }
0x2c9: {  	[tilespmem:s2], [sflag:$0x2] =	stream.indirect_vreg.gather [hbm4b:s5+s3], $0x80, v4, vm0, $0xb8;
	[tilespmem:$0x18200] =	vst v63  }
0x2ca: {  	s9 =	simm.s32 $0xDA00  }
0x2cb: {  	[tilespmem:s9], [sflag:$0x2] =	stream.indirect_vreg.gather [hbm4b:s6+s3], $0x80, v4, vm0, $0xb8;
	[tilespmem:$0x18200] =	vst v63  }
0x2cc: {  	s2 =	simm.s32 $0xE200  }
0x2cd: {  	[tilespmem:s2], [sflag:$0x2] =	stream.indirect_vreg.gather [hbm4b:s1+s3], $0x80, v3, vm0, $0xb8;
	[tilespmem:$0x18200] =	vst v63  }
0x2ce: {  	s9 =	simm.s32 $0xEA00  }
0x2cf: {  	[tilespmem:s9], [sflag:$0x2] =	stream.indirect_vreg.gather [hbm4b:s4+s3], $0x80, v3, vm0, $0xb8;
	[tilespmem:$0x18200] =	vst v63  }
0x2d0: {  	s2 =	simm.s32 $0xF200  }
0x2d1: {  	[tilespmem:s2], [sflag:$0x2] =	stream.indirect_vreg.gather [hbm4b:s5+s3], $0x80, v3, vm0, $0xb8;
	[tilespmem:$0x18200] =	vst v63  }
0x2d2: {  	s9 =	simm.s32 $0xFA00  }
0x2d3: {  	[tilespmem:s9], [sflag:$0x2] =	stream.indirect_vreg.gather [hbm4b:s6+s3], $0x80, v3, vm0, $0xb8;
	[tilespmem:$0x18200] =	vst v63  }
0x2d4: {  	s2 =	rddreg [dreg:$0x10];
	s9 =	simm.s32 $0x10200  }
0x2d5: {  	[hbm4b:s2+s3] =	stream.linear.scatter [tilespmem:s9], [sflag:$0x4], $0x8000, $0x38;
	[tilespmem:$0x18200] =	vst v63  }
0x2d6: {  	_ =	swait.ge [sflag:s8], $0x8000  }
0x2d7: {  	[sflag:s8] =	ssyncset.done $0x0  }
0x2d8: {  	[sflag:s8] =	ssyncadd.s32 $0xFFFF8000  }
0x2d9: {  	_ =	swait.ge [sflag:s28], $0x8000  }
0x2da: {  	[sflag:s28] =	ssyncset.done $0x0  }
0x2db: {  	[sflag:s28] =	ssyncadd.s32 $0xFFFF8000  }
0x2dc: {  	v3 =	vld [tilespmem:$0x1C0];
	_ =	sdelay $0x4  }
0x2dd: {  	v60 =	vshll.u32 v3, $0x3  }
0x2de: {  	v3 =	vand.u32 $0x7, v3;
	v4 =	vand.u32 $0xFFFFFFC0, v60  }
0x2df: {  	v3 =	vor.u32 v3, v4  }
0x2e0: {  	v4 =	vperm.xlane v3, v0;
	_ =	sdelay $0x1  }
0x2e1: {  	v4 =	vadd.s32 v1, v4;
	_ =	sdelay $0x4  }
0x2e2: {  	[tilespmem:s9], [sflag:$0x3] =	stream.indirect_vreg.gather [hbm4b:s1+s3], $0x80, v4, vm0, $0xb8;
	[tilespmem:$0x18200] =	vst v63  }
0x2e3: {  	s2 =	simm.s32 $0x10A00;
	v3 =	vperm.xlane v3, v2  }
0x2e4: {  	[tilespmem:s2], [sflag:$0x3] =	stream.indirect_vreg.gather [hbm4b:s4+s3], $0x80, v4, vm0, $0xb8;
	[tilespmem:$0x18200] =	vst v63  }
0x2e5: {  	v3 =	vadd.s32 v1, v3  }
0x2e6: {  	[tilespmem:s12], [sflag:$0x3] =	stream.indirect_vreg.gather [hbm4b:s5+s3], $0x80, v4, vm0, $0xb8;
	[tilespmem:$0x18200] =	vst v63  }
0x2e7: {  	_ = 	snop  }
0x2e8: {  	[tilespmem:s13], [sflag:$0x3] =	stream.indirect_vreg.gather [hbm4b:s6+s3], $0x80, v4, vm0, $0xb8;
	[tilespmem:$0x18200] =	vst v63  }
0x2e9: {  	_ = 	snop  }
0x2ea: {  	[tilespmem:s22], [sflag:$0x3] =	stream.indirect_vreg.gather [hbm4b:s1+s3], $0x80, v3, vm0, $0xb8;
	[tilespmem:$0x18200] =	vst v63  }
0x2eb: {  	_ = 	snop  }
0x2ec: {  	[tilespmem:s23], [sflag:$0x3] =	stream.indirect_vreg.gather [hbm4b:s4+s3], $0x80, v3, vm0, $0xb8;
	[tilespmem:$0x18200] =	vst v63  }
0x2ed: {  	_ = 	snop  }
0x2ee: {  	[tilespmem:s26], [sflag:$0x3] =	stream.indirect_vreg.gather [hbm4b:s5+s3], $0x80, v3, vm0, $0xb8;
	[tilespmem:$0x18200] =	vst v63  }
0x2ef: {  	s13 =	simm.s32 $0x13A00  }
0x2f0: {  	[tilespmem:s13], [sflag:$0x3] =	stream.indirect_vreg.gather [hbm4b:s6+s3], $0x80, v3, vm0, $0xb8;
	[tilespmem:$0x18200] =	vst v63  }
0x2f1: {  	v3 =	vld [tilespmem:$0x1D0];
	_ =	sdelay $0x4  }
0x2f2: {  	v61 =	vshll.u32 v3, $0x3  }
0x2f3: {  	v3 =	vand.u32 $0x7, v3;
	v4 =	vand.u32 $0xFFFFFFC0, v61  }
0x2f4: {  	v3 =	vor.u32 v3, v4  }
0x2f5: {  	v4 =	vperm.xlane v3, v0;
	_ =	sdelay $0x1  }
0x2f6: {  	v4 =	vadd.s32 v1, v4;
	_ =	sdelay $0x3  }
0x2f7: {  	s22 =	simm.s32 $0x14200  }
0x2f8: {  	[tilespmem:s22], [sflag:$0x3] =	stream.indirect_vreg.gather [hbm4b:s1+s3], $0x80, v4, vm0, $0xb8;
	[tilespmem:$0x18200] =	vst v63  }
0x2f9: {  	s23 =	simm.s32 $0x14A00;
	v3 =	vperm.xlane v3, v2  }
0x2fa: {  	[tilespmem:s23], [sflag:$0x3] =	stream.indirect_vreg.gather [hbm4b:s4+s3], $0x80, v4, vm0, $0xb8;
	[tilespmem:$0x18200] =	vst v63  }
0x2fb: {  	v3 =	vadd.s32 v1, v3  }
0x2fc: {  	[tilespmem:s24], [sflag:$0x3] =	stream.indirect_vreg.gather [hbm4b:s5+s3], $0x80, v4, vm0, $0xb8;
	[tilespmem:$0x18200] =	vst v63  }
0x2fd: {  	_ = 	snop  }
0x2fe: {  	[tilespmem:s25], [sflag:$0x3] =	stream.indirect_vreg.gather [hbm4b:s6+s3], $0x80, v4, vm0, $0xb8;
	[tilespmem:$0x18200] =	vst v63  }
0x2ff: {  	_ = 	snop  }
0x300: {  	[tilespmem:s29], [sflag:$0x3] =	stream.indirect_vreg.gather [hbm4b:s1+s3], $0x80, v3, vm0, $0xb8;
	[tilespmem:$0x18200] =	vst v63  }
0x301: {  	s26 =	simm.s32 $0x16A00  }
0x302: {  	[tilespmem:s26], [sflag:$0x3] =	stream.indirect_vreg.gather [hbm4b:s4+s3], $0x80, v3, vm0, $0xb8;
	[tilespmem:$0x18200] =	vst v63  }
0x303: {  	s29 =	simm.s32 $0x17200  }
0x304: {  	[tilespmem:s29], [sflag:$0x3] =	stream.indirect_vreg.gather [hbm4b:s5+s3], $0x80, v3, vm0, $0xb8;
	[tilespmem:$0x18200] =	vst v63  }
0x305: {  	s21 =	simm.s32 $0x17A00  }
0x306: {  	[tilespmem:s21], [sflag:$0x3] =	stream.indirect_vreg.gather [hbm4b:s6+s3], $0x80, v3, vm0, $0xb8;
	[tilespmem:$0x18200] =	vst v63  }
0x307: {  	s7 =	simm.s32 $0x200;
	s12 =	rddreg [dreg:$0x11]  }
0x308: {  	[hbm4b:s12+s3] =	stream.linear.scatter [tilespmem:s7], [sflag:$0x4], $0x8000, $0x38;
	[tilespmem:$0x18200] =	vst v63  }
0x309: {  	s0 =	rddreg [dreg:$0x15];
	_ =	swait.ge [sflag:s8], $0x8000  }
0x30a: {  	[sflag:s8] =	ssyncset.done $0x0  }
0x30b: {  	[sflag:s8] =	ssyncadd.s32 $0xFFFF8000  }
0x30c: {  	_ =	swait.ge [sflag:s30], $0x8000  }
0x30d: {  	[sflag:s30] =	ssyncset.done $0x0  }
0x30e: {  	[sflag:s30] =	ssyncadd.s32 $0xFFFF8000  }
0x30f: {  	v3 =	vld [tilespmem:$0x1E0];
	_ =	sdelay $0x4  }
0x310: {  	v62 =	vshll.u32 v3, $0x3  }
0x311: {  	v3 =	vand.u32 $0x7, v3;
	v4 =	vand.u32 $0xFFFFFFC0, v62  }
0x312: {  	v3 =	vor.u32 v3, v4  }
0x313: {  	v4 =	vperm.xlane v3, v0;
	_ =	sdelay $0x1  }
0x314: {  	v4 =	vadd.s32 v1, v4;
	_ =	sdelay $0x4  }
0x315: {  	[tilespmem:s7], [sflag:$0x1] =	stream.indirect_vreg.gather [hbm4b:s1+s3], $0x80, v4, vm0, $0xb8;
	[tilespmem:$0x18200] =	vst v63  }
0x316: {  	s20 =	simm.s32 $0xA00;
	v3 =	vperm.xlane v3, v2  }
0x317: {  	[tilespmem:s20], [sflag:$0x1] =	stream.indirect_vreg.gather [hbm4b:s4+s3], $0x80, v4, vm0, $0xb8;
	[tilespmem:$0x18200] =	vst v63  }
0x318: {  	s13 =	simm.s32 $0x1200;
	v3 =	vadd.s32 v1, v3  }
0x319: {  	[tilespmem:s13], [sflag:$0x1] =	stream.indirect_vreg.gather [hbm4b:s5+s3], $0x80, v4, vm0, $0xb8;
	[tilespmem:$0x18200] =	vst v63  }
0x31a: {  	s14 =	simm.s32 $0x1A00  }
0x31b: {  	[tilespmem:s14], [sflag:$0x1] =	stream.indirect_vreg.gather [hbm4b:s6+s3], $0x80, v4, vm0, $0xb8;
	[tilespmem:$0x18200] =	vst v63  }
0x31c: {  	s15 =	simm.s32 $0x2200  }
0x31d: {  	[tilespmem:s15], [sflag:$0x1] =	stream.indirect_vreg.gather [hbm4b:s1+s3], $0x80, v3, vm0, $0xb8;
	[tilespmem:$0x18200] =	vst v63  }
0x31e: {  	s16 =	simm.s32 $0x2A00  }
0x31f: {  	[tilespmem:s16], [sflag:$0x1] =	stream.indirect_vreg.gather [hbm4b:s4+s3], $0x80, v3, vm0, $0xb8;
	[tilespmem:$0x18200] =	vst v63  }
0x320: {  	s17 =	simm.s32 $0x3200  }
0x321: {  	[tilespmem:s17], [sflag:$0x1] =	stream.indirect_vreg.gather [hbm4b:s5+s3], $0x80, v3, vm0, $0xb8;
	[tilespmem:$0x18200] =	vst v63  }
0x322: {  	s17 =	simm.s32 $0x3A00  }
0x323: {  	[tilespmem:s17], [sflag:$0x1] =	stream.indirect_vreg.gather [hbm4b:s6+s3], $0x80, v3, vm0, $0xb8;
	[tilespmem:$0x18200] =	vst v63  }
0x324: {  	v3 =	vld [tilespmem:$0x1F0];
	_ =	sdelay $0x4  }
0x325: {  	v63 =	vshll.u32 v3, $0x3  }
0x326: {  	v3 =	vand.u32 $0x7, v3;
	v4 =	vand.u32 $0xFFFFFFC0, v63  }
0x327: {  	v3 =	vor.u32 v3, v4  }
0x328: {  	v4 =	vperm.xlane v3, v0;
	_ =	sdelay $0x1  }
0x329: {  	v4 =	vadd.s32 v1, v4;
	_ =	sdelay $0x3  }
0x32a: {  	s20 =	simm.s32 $0x4200  }
0x32b: {  	[tilespmem:s20], [sflag:$0x1] =	stream.indirect_vreg.gather [hbm4b:s1+s3], $0x80, v4, vm0, $0xb8;
	[tilespmem:$0x18200] =	vst v63  }
0x32c: {  	s21 =	simm.s32 $0x4A00;
	v3 =	vperm.xlane v3, v2  }
0x32d: {  	[tilespmem:s21], [sflag:$0x1] =	stream.indirect_vreg.gather [hbm4b:s4+s3], $0x80, v4, vm0, $0xb8;
	[tilespmem:$0x18200] =	vst v63  }
0x32e: {  	s22 =	simm.s32 $0x5200;
	v3 =	vadd.s32 v1, v3  }
0x32f: {  	[tilespmem:s22], [sflag:$0x1] =	stream.indirect_vreg.gather [hbm4b:s5+s3], $0x80, v4, vm0, $0xb8;
	[tilespmem:$0x18200] =	vst v63  }
0x330: {  	s23 =	simm.s32 $0x5A00  }
0x331: {  	[tilespmem:s23], [sflag:$0x1] =	stream.indirect_vreg.gather [hbm4b:s6+s3], $0x80, v4, vm0, $0xb8;
	[tilespmem:$0x18200] =	vst v63  }
0x332: {  	s11 =	simm.s32 $0x6200  }
0x333: {  	[tilespmem:s11], [sflag:$0x1] =	stream.indirect_vreg.gather [hbm4b:s1+s3], $0x80, v3, vm0, $0xb8;
	[tilespmem:$0x18200] =	vst v63  }
0x334: {  	s18 =	simm.s32 $0x6A00  }
0x335: {  	[tilespmem:s18], [sflag:$0x1] =	stream.indirect_vreg.gather [hbm4b:s4+s3], $0x80, v3, vm0, $0xb8;
	[tilespmem:$0x18200] =	vst v63  }
0x336: {  	s19 =	simm.s32 $0x7200  }
0x337: {  	[tilespmem:s19], [sflag:$0x1] =	stream.indirect_vreg.gather [hbm4b:s5+s3], $0x80, v3, vm0, $0xb8;
	[tilespmem:$0x18200] =	vst v63  }
0x338: {  	s25 =	simm.s32 $0x7A00  }
0x339: {  	[tilespmem:s25], [sflag:$0x1] =	stream.indirect_vreg.gather [hbm4b:s6+s3], $0x80, v3, vm0, $0xb8;
	[tilespmem:$0x18200] =	vst v63  }
0x33a: {  	s10 =	simm.s32 $0x8200;
	s24 =	rddreg [dreg:$0x12]  }
0x33b: {  	[hbm4b:s24+s3] =	stream.linear.scatter [tilespmem:s10], [sflag:$0x4], $0x8000, $0x38;
	[tilespmem:$0x18200] =	vst v63  }
0x33c: {  	_ =	swait.ge [sflag:s8], $0x8000  }
0x33d: {  	[sflag:s8] =	ssyncset.done $0x0  }
0x33e: {  	[sflag:s8] =	ssyncadd.s32 $0xFFFF8000  }
0x33f: {  	_ =	swait.ge [sflag:s31], $0x8000  }
0x340: {  	[sflag:s31] =	ssyncset.done $0x0  }
0x341: {  	s9 =	simm.s32 $0x10200;
	s26 =	rddreg [dreg:$0x13];
	[sflag:s31] =	ssyncadd.s32 $0xFFFF8000  }
0x342: {  	[hbm4b:s26+s3] =	stream.linear.scatter [tilespmem:s9], [sflag:$0x4], $0x8000, $0x38;
	[tilespmem:$0x18200] =	vst v63  }
0x343: {  	_ =	swait.ge [sflag:s8], $0x8000  }
0x344: {  	[sflag:s8] =	ssyncset.done $0x0  }
0x345: {  	[sflag:s8] =	ssyncadd.s32 $0xFFFF8000  }
0x346: {  	_ =	swait.ge [sflag:s28], $0x8000  }
0x347: {  	p0 =	sne.s32 s0, $0x1;
	[sflag:s28] =	ssyncset.done $0x0  }
.Ltmp0:
0x348: {  	s29 =	rddreg [dreg:$0x14];
	[sflag:s28] =	ssyncadd.s32 $0xFFFF8000;
	(pc) =	sbr.rel @p0 .LBB2_1-.Ltmp0, $4  }
0x349: {  	[hbm4b:s29+s3] =	stream.linear.scatter [tilespmem:s7], [sflag:$0x4], $0x8000, $0x38;
	[tilespmem:$0x18200] =	vst v63  }
0x34a: {  	_ =	swait.ge [sflag:s8], $0x8000  }
0x34b: {  	[sflag:s8] =	ssyncset.done $0x0  }
0x34c: {  	s0 =	sadd.s32 $0xFFFFFFFF, s0;
	[sflag:s8] =	ssyncadd.s32 $0xFFFF8000  }
0x34d: {  	_ =	sfence.sel $0x180000  }
0x34e: {  	[bflag:$0x0] =	sbarrier.arrive $0xFFFF  }
0x34f: {  	_ =	strace $0x90000047  }
0x350: {  	s0 =	stileid.u32;
	[bflag:$0x2] =	sbarrier.arrive $0xFFFF  }
0x351: {  	p0 =	sne.s32 s0, $0x0;
	s0 =	rddreg [dreg:$0x3]  }
0x352: {  	s0 =	sadd.s32 @!p0 $0x100000, s0  }
0x353: {  	[sflag:s0] =	ssyncadd.tile.s32 @!p0 $0x1;
	_ =	shalt  }
.Lfunc_end2:
_tile_overlayer_lowered:
.L_overlay_start_2:
0x354: {  	(tag) =	ssettag $0x2  }
0x355: {  	s0 =	rddreg [dreg:$0x0];
	s2 =	stileid.u32  }
0x356: {  	s1 =	rddreg [dreg:$0x1];
	p0 =	sne.s32 s2, $0x0  }
0x357: {  	s3 =	rddreg [dreg:$0x2];
	[bflag:$0x3] =	sbarrier.arrive $0xFFFF;
	s2 =	simm.s32 @!p0 $0x1C04  }
0x358: {  	[timem:s3], [sflag:s2] =	dma.local @!p0 [hbm:s0], s1  }
0x359: {  	s0 =	simm.s32 @!p0 $0x4  }
0x35a: {  	_ =	swait.ge @!p0 [sflag:s0], s1  }
0x35b: {  	s1 =	ssub.s32 @!p0 $0x0, s1;
	[sflag:s0] =	ssyncset.done @!p0 $0x0  }
0x35c: {  	[sflag:s0] =	ssyncadd.s32 @!p0 s1  }
0x35d: {  	[bflag:$0x3] =	sbarrier.arrive $0xFFFF  }
0x35e: {  	_ =	shalt  }

</sc_bundles>
